<compile_context>
chip_gen: v7x
topology: tpu7x:2x2x1
jax: 0.10.2.dev20260603
libtpu: 0.0.44.dev20260713+nightly
codegen_flags: <defaults>
</compile_context>

<pallas_src>
import functools

import jax
import jax.numpy as jnp
from jax import lax
from jax.experimental import pallas as pl
from jax.experimental.pallas import tpu as pltpu
from jax.experimental.pallas import tpu_sc as plsc

_NC = 2
_NS = 16
_NW = _NC * _NS
_L = 16
_BLK = 128
_CB = 22
_CHUNK = _CB * _BLK
_R = 4


@jax.jit
def _sc_partials(probs, edges, batch):
    N = probs.shape[0]
    E = edges.shape[1]
    nblk = E // _BLK
    mainb = nblk // _NW
    rem = nblk - mainb * _NW
    nchunk = mainb // _CB
    nvec = N // _L
    vpw = -(-nvec // _NW)

    mesh = plsc.VectorSubcoreMesh(
        core_axis_name="c", subcore_axis_name="s",
        num_cores=_NC, num_subcores=_NS)

    @functools.partial(
        pl.kernel,
        out_type=(
            jax.ShapeDtypeStruct((_NW, _L), jnp.float32),
            jax.ShapeDtypeStruct((_NW, _L), jnp.float32),
            jax.ShapeDtypeStruct((_NW, _L), jnp.int32),
        ),
        mesh=mesh,
        compiler_params=pltpu.CompilerParams(needs_layout_passes=False),
        scratch_types=[
            pltpu.VMEM((N,), jnp.float32),
            *[pltpu.VMEM((2, _CHUNK), jnp.int32) for _ in range(_R)],
            pltpu.VMEM((2, _BLK), jnp.int32),
            pltpu.VMEM((vpw * _L,), jnp.int32),
            pltpu.VMEM((_L,), jnp.float32),
            pltpu.VMEM((_L,), jnp.float32),
            pltpu.VMEM((_L,), jnp.int32),
            pltpu.SemaphoreType.DMA,
            pltpu.SemaphoreType.DMA,
            pltpu.SemaphoreType.DMA,
            *[pltpu.SemaphoreType.DMA for _ in range(_R)],
        ],
    )
    def sc_kernel(probs_hbm, edges_hbm, batch_hbm,
                  edge_out, psum_out, bmax_out,
                  table_v, *rest):
        ebufs = rest[:_R]
        xbuf, batch_v, oe_v, op_v, om_v, sem_t, sem_b, sem_x = rest[_R:_R + 8]
        esems = rest[_R + 8:]
        wid = lax.axis_index("s") * _NC + lax.axis_index("c")

        has_extra = wid < rem
        base_b = jnp.where(has_extra, wid * (mainb + 1), rem + wid * mainb)
        mstart = base_b + jnp.where(has_extra, 1, 0)

        def edge_cp(chunk, b):
            off = (mstart + chunk * _CB) * _BLK
            return pltpu.make_async_copy(
                edges_hbm.at[:, pl.ds(off, _CHUNK)], ebufs[b], esems[b])

        def edge_block(buf, off, a):
            ir = buf[0, pl.ds(off, _L)]
            ic = buf[1, pl.ds(off, _L)]
            pr = plsc.load_gather(table_v, [ir])
            pc = plsc.load_gather(table_v, [ic])
            return a + jnp.where(ir != ic, (1.0 - pr) * (1.0 - pc), 0.0)

        bstart = jnp.minimum(wid * vpw, nvec - vpw) * _L
        cp_t = pltpu.make_async_copy(probs_hbm, table_v, sem_t)
        cp_t.start()
        cp_b = pltpu.make_async_copy(
            batch_hbm.at[pl.ds(bstart, vpw * _L)], batch_v, sem_b)
        cp_b.start()
        for b in range(_R):
            edge_cp(b, b).start()

        cp_t.wait()
        pvec0 = wid * vpw
        ptrip = jnp.minimum(vpw, nvec - pvec0)

        @pl.loop(0, ptrip, init_carry=jnp.zeros((_L,), jnp.float32))
        def psum(i, acc):
            return acc + table_v[pl.ds((pvec0 + i) * _L, _L)]
        op_v[...] = psum

        cp_b.wait()

        @pl.loop(0, vpw, init_carry=jnp.zeros((_L,), jnp.int32))
        def bmax(i, acc):
            return jnp.maximum(acc, batch_v[pl.ds(i * _L, _L)])
        om_v[...] = bmax

        oe_v[...] = jnp.zeros((_L,), jnp.float32)

        @pl.when(has_extra)
        def _():
            cpx = pltpu.make_async_copy(
                edges_hbm.at[:, pl.ds(base_b * _BLK, _BLK)], xbuf, sem_x)
            cpx.start()
            cpx.wait()

            @pl.loop(0, _BLK, step=_L, init_carry=jnp.zeros((_L,), jnp.float32))
            def xacc(off, a):
                return edge_block(xbuf, off, a)
            oe_v[...] = xacc

        def chunk_compute(buf, acc):
            @plsc.parallel_loop(0, _CHUNK, step=_L, unroll=8, carry=acc)
            def inner(off, a):
                return edge_block(buf, off, a)
            return inner

        rounds = nchunk // _R

        @pl.loop(0, rounds, init_carry=oe_v[...])
        def eloop(g, acc):
            for b in range(_R):
                chunk = g * _R + b
                edge_cp(chunk, b).wait()
                acc = chunk_compute(ebufs[b], acc)

                refill = chunk + _R - 1
                cond = refill < nchunk
                if b == 0:
                    cond = jnp.logical_and(g > 0, cond)

                @pl.when(cond)
                def _():
                    edge_cp(refill, (b - 1) % _R).start()
            return acc

        acc = eloop
        for j in range(rounds * _R, nchunk):
            edge_cp(j, j % _R).wait()
            acc = chunk_compute(ebufs[j % _R], acc)
        oe_v[...] = acc

        pltpu.sync_copy(oe_v, edge_out.at[wid])
        pltpu.sync_copy(op_v, psum_out.at[wid])
        pltpu.sync_copy(om_v, bmax_out.at[wid])

    return sc_kernel(probs, edges, batch)


def kernel(probs, edge_index, batch, penalty_coefficient):
    e_part, p_part, m_part = _sc_partials(probs, edge_index, batch)
    num_graphs = jnp.max(m_part) + 1
    expected_distance = jnp.sum(e_part) / num_graphs
    expected_weight = jnp.sum(p_part) / num_graphs
    loss = penalty_coefficient * expected_distance + expected_weight
    return (loss, expected_weight, expected_distance)

# --- scband reference (transcript-rebuilt; emitter-appended) ---
"""Pipeline reference for scband-erdos-loss-vertex-37374805410257 (READ-ONLY COPY).

The authoritative reference and input builder live on the scoring server;
editing this copy changes nothing except your own understanding.
"""

import jax, jax.numpy as jnp
import numpy as np


def setup_inputs(seed: int = 0) -> dict:
    key = jax.random.key(seed)
    k1, k2, k3 = jax.random.split(key, 3)
    N = 100000
    E = 6400000
    G = 128
    probs = jax.random.uniform(k1, (N,), dtype=jnp.float32)
    edge_index = jax.random.randint(k2, (2, E), 0, N, dtype=jnp.int32)
    batch = jnp.sort(jax.random.randint(k3, (N,), 0, G, dtype=jnp.int32))
    return {"probs": probs, "edge_index": edge_index, "batch": batch, "penalty_coefficient": 4}


def reference(probs, edge_index, batch, penalty_coefficient):
    # remove_self_loops
    row, col = edge_index[0], edge_index[1]
    mask = row != col
    num_graphs = jnp.max(batch) + 1
    # per-graph sum of probs (torch loop over graphs == segment_sum over batch ids)
    probs_sum = jax.ops.segment_sum(probs, batch, num_segments=128)
    vertex_row = probs[row]
    vertex_col = probs[col]
    edge_terms = jnp.where(mask, (1.0 - vertex_row) * (1.0 - vertex_col), 0.0)
    expected_distance = jnp.sum(edge_terms) / num_graphs
    expected_weight = jnp.sum(probs_sum) / num_graphs
    loss = penalty_coefficient * expected_distance + expected_weight
    return (jnp.squeeze(loss), expected_weight, expected_distance)

if __name__ == "__main__":
    import jax
    _d = setup_inputs()
    print(jax.jit(kernel)(*tuple(_d.values())))

</pallas_src>

<mosaic_0001>
#map = affine_map<(d0, d1) -> (0)>
#map1 = affine_map<(d0, d1) -> (0, 0)>
module attributes {stable_mosaic.version = 14 : i64} {
  func.func @sc_kernel(%arg0: i32, %arg1: i32, %arg2: memref<100000xf32, #tpu.memory_space<hbm>>, %arg3: memref<2x6400000xi32, #tpu.memory_space<hbm>>, %arg4: memref<100000xi32, #tpu.memory_space<hbm>>, %arg5: memref<32x16xf32, #tpu.memory_space<hbm>>, %arg6: memref<32x16xf32, #tpu.memory_space<hbm>>, %arg7: memref<32x16xi32, #tpu.memory_space<hbm>>, %arg8: memref<100000xf32, #tpu.memory_space<vmem>>, %arg9: memref<2x2816xi32, #tpu.memory_space<vmem>>, %arg10: memref<2x2816xi32, #tpu.memory_space<vmem>>, %arg11: memref<2x2816xi32, #tpu.memory_space<vmem>>, %arg12: memref<2x2816xi32, #tpu.memory_space<vmem>>, %arg13: memref<2x128xi32, #tpu.memory_space<vmem>>, %arg14: memref<3136xi32, #tpu.memory_space<vmem>>, %arg15: memref<16xf32, #tpu.memory_space<vmem>>, %arg16: memref<16xf32, #tpu.memory_space<vmem>>, %arg17: memref<16xi32, #tpu.memory_space<vmem>>, %arg18: memref<!tpu.dma_semaphore, #tpu.memory_space<semaphore_mem>>, %arg19: memref<!tpu.dma_semaphore, #tpu.memory_space<semaphore_mem>>, %arg20: memref<!tpu.dma_semaphore, #tpu.memory_space<semaphore_mem>>, %arg21: memref<!tpu.dma_semaphore, #tpu.memory_space<semaphore_mem>>, %arg22: memref<!tpu.dma_semaphore, #tpu.memory_space<semaphore_mem>>, %arg23: memref<!tpu.dma_semaphore, #tpu.memory_space<semaphore_mem>>, %arg24: memref<!tpu.dma_semaphore, #tpu.memory_space<semaphore_mem>>) attributes {dimension_semantics = [#tpu.dimension_semantics<core_parallel>, #tpu.dimension_semantics<subcore_parallel>], iteration_bounds = array<i64: 2, 16>, scalar_prefetch = 0 : i64, scratch_operands = 17 : i64, tpu.core_type = #tpu.core_type<sc_vector_subcore>, window_params = [{transform_indices = #map}, {transform_indices = #map1}, {transform_indices = #map}, {transform_indices = #map1}, {transform_indices = #map1}, {transform_indices = #map1}]} {
    %mul3A = arith.constant 2 : i32
    %mul3A_0 = arith.muli %arg1, %mul3A : i32
    %add3A = arith.addi %mul3A_0, %arg0 : i32
    %lt3A = arith.constant 16 : i32
    %lt3A_1 = arith.cmpi slt, %add3A, %lt3A : i32
    %mul3A_2 = arith.constant 1563 : i32
    %mul3A_3 = arith.muli %add3A, %mul3A_2 : i32
    %mul3A_4 = arith.constant 1562 : i32
    %mul3A_5 = arith.muli %add3A, %mul3A_4 : i32
    %add3A_6 = arith.constant 16 : i32
    %add3A_7 = arith.addi %add3A_6, %mul3A_5 : i32
    %select_n3A = arith.select %lt3A_1, %mul3A_3, %add3A_7 : i32
    %jit3A = arith.constant 1 : i32
    %jit3A_8 = arith.constant 0 : i32
    %select_n3A_9 = arith.select %lt3A_1, %jit3A, %jit3A_8 : i32
    %add3A_10 = arith.addi %select_n3A, %select_n3A_9 : i32
    %mul3A_11 = arith.constant 196 : i32
    %mul3A_12 = arith.muli %add3A, %mul3A_11 : i32
    %min3A = arith.constant 6054 : i32
    %min3A_13 = arith.minsi %mul3A_12, %min3A : i32
    %mul3A_14 = arith.constant 16 : i32
    %mul3A_15 = arith.muli %min3A_13, %mul3A_14 : i32
    tpu.enqueue_dma source(%arg2 : memref<100000xf32, #tpu.memory_space<hbm>>) target(%arg8 : memref<100000xf32, #tpu.memory_space<vmem>>) target_semaphore(%arg18 : memref<!tpu.dma_semaphore, #tpu.memory_space<semaphore_mem>>)
    %dma_start3A = tpu.memref_slice %arg4[%mul3A_15] : memref<100000xi32, #tpu.memory_space<hbm>> -> memref<3136xi32, #tpu.memory_space<hbm>>
    %dma_start3A_16 = tpu.memref_slice %arg4[%mul3A_15] : memref<100000xi32, #tpu.memory_space<hbm>> -> memref<3136xi32, #tpu.memory_space<hbm>>
    tpu.enqueue_dma source(%dma_start3A_16 : memref<3136xi32, #tpu.memory_space<hbm>>) target(%arg14 : memref<3136xi32, #tpu.memory_space<vmem>>) target_semaphore(%arg19 : memref<!tpu.dma_semaphore, #tpu.memory_space<semaphore_mem>>)
    %add3A_17 = arith.constant 0 : i32
    %add3A_18 = arith.addi %add3A_10, %add3A_17 : i32
    %mul3A_19 = arith.constant 128 : i32
    %mul3A_20 = arith.muli %add3A_18, %mul3A_19 : i32
    %dma_start3A_21 = arith.constant 0 : i32
    %dma_start3A_22 = tpu.memref_slice %arg3[%dma_start3A_21, %mul3A_20] : memref<2x6400000xi32, #tpu.memory_space<hbm>> -> memref<2x2816xi32, #tpu.memory_space<hbm>>
    %dma_start3A_23 = arith.constant 0 : i32
    %dma_start3A_24 = tpu.memref_slice %arg3[%dma_start3A_23, %mul3A_20] : memref<2x6400000xi32, #tpu.memory_space<hbm>> -> memref<2x2816xi32, #tpu.memory_space<hbm>>
    tpu.enqueue_dma source(%dma_start3A_24 : memref<2x2816xi32, #tpu.memory_space<hbm>>) target(%arg9 : memref<2x2816xi32, #tpu.memory_space<vmem>>) target_semaphore(%arg21 : memref<!tpu.dma_semaphore, #tpu.memory_space<semaphore_mem>>)
    %add3A_25 = arith.constant 22 : i32
    %add3A_26 = arith.addi %add3A_10, %add3A_25 : i32
    %mul3A_27 = arith.constant 128 : i32
    %mul3A_28 = arith.muli %add3A_26, %mul3A_27 : i32
    %dma_start3A_29 = arith.constant 0 : i32
    %dma_start3A_30 = tpu.memref_slice %arg3[%dma_start3A_29, %mul3A_28] : memref<2x6400000xi32, #tpu.memory_space<hbm>> -> memref<2x2816xi32, #tpu.memory_space<hbm>>
    %dma_start3A_31 = arith.constant 0 : i32
    %dma_start3A_32 = tpu.memref_slice %arg3[%dma_start3A_31, %mul3A_28] : memref<2x6400000xi32, #tpu.memory_space<hbm>> -> memref<2x2816xi32, #tpu.memory_space<hbm>>
    tpu.enqueue_dma source(%dma_start3A_32 : memref<2x2816xi32, #tpu.memory_space<hbm>>) target(%arg10 : memref<2x2816xi32, #tpu.memory_space<vmem>>) target_semaphore(%arg22 : memref<!tpu.dma_semaphore, #tpu.memory_space<semaphore_mem>>)
    %add3A_33 = arith.constant 44 : i32
    %add3A_34 = arith.addi %add3A_10, %add3A_33 : i32
    %mul3A_35 = arith.constant 128 : i32
    %mul3A_36 = arith.muli %add3A_34, %mul3A_35 : i32
    %dma_start3A_37 = arith.constant 0 : i32
    %dma_start3A_38 = tpu.memref_slice %arg3[%dma_start3A_37, %mul3A_36] : memref<2x6400000xi32, #tpu.memory_space<hbm>> -> memref<2x2816xi32, #tpu.memory_space<hbm>>
    %dma_start3A_39 = arith.constant 0 : i32
    %dma_start3A_40 = tpu.memref_slice %arg3[%dma_start3A_39, %mul3A_36] : memref<2x6400000xi32, #tpu.memory_space<hbm>> -> memref<2x2816xi32, #tpu.memory_space<hbm>>
    tpu.enqueue_dma source(%dma_start3A_40 : memref<2x2816xi32, #tpu.memory_space<hbm>>) target(%arg11 : memref<2x2816xi32, #tpu.memory_space<vmem>>) target_semaphore(%arg23 : memref<!tpu.dma_semaphore, #tpu.memory_space<semaphore_mem>>)
    %add3A_41 = arith.constant 66 : i32
    %add3A_42 = arith.addi %add3A_10, %add3A_41 : i32
    %mul3A_43 = arith.constant 128 : i32
    %mul3A_44 = arith.muli %add3A_42, %mul3A_43 : i32
    %dma_start3A_45 = arith.constant 0 : i32
    %dma_start3A_46 = tpu.memref_slice %arg3[%dma_start3A_45, %mul3A_44] : memref<2x6400000xi32, #tpu.memory_space<hbm>> -> memref<2x2816xi32, #tpu.memory_space<hbm>>
    %dma_start3A_47 = arith.constant 0 : i32
    %dma_start3A_48 = tpu.memref_slice %arg3[%dma_start3A_47, %mul3A_44] : memref<2x6400000xi32, #tpu.memory_space<hbm>> -> memref<2x2816xi32, #tpu.memory_space<hbm>>
    tpu.enqueue_dma source(%dma_start3A_48 : memref<2x2816xi32, #tpu.memory_space<hbm>>) target(%arg12 : memref<2x2816xi32, #tpu.memory_space<vmem>>) target_semaphore(%arg24 : memref<!tpu.dma_semaphore, #tpu.memory_space<semaphore_mem>>)
    tpu.wait_dma2 semaphore(%arg18 : memref<!tpu.dma_semaphore, #tpu.memory_space<semaphore_mem>>) src(%arg2 : memref<100000xf32, #tpu.memory_space<hbm>>) dst(%arg8 : memref<100000xf32, #tpu.memory_space<vmem>>)
    %mul3A_49 = arith.constant 196 : i32
    %mul3A_50 = arith.muli %add3A, %mul3A_49 : i32
    %sub3A = arith.constant 6250 : i32
    %sub3A_51 = arith.subi %sub3A, %mul3A_50 : i32
    %min3A_52 = arith.constant 196 : i32
    %min3A_53 = arith.minsi %min3A_52, %sub3A_51 : i32
    %broadcast_in_dim3A = arith.constant 0.000000e+00 : f32
    %broadcast_in_dim3A_54 = vector.broadcast %broadcast_in_dim3A : f32 to vector<16xf32>
    %sub3A_55 = arith.constant 0 : i32
    %sub3A_56 = arith.subi %min3A_53, %sub3A_55 : i32
    %sub3A_57 = arith.constant 1 : i32
    %sub3A_58 = arith.constant 1 : i32
    %sub3A_59 = arith.subi %sub3A_57, %sub3A_58 : i32
    %add3A_60 = arith.addi %sub3A_56, %sub3A_59 : i32
    %div3A = arith.constant 1 : i32
    %div3A_61 = arith.divsi %add3A_60, %div3A : i32
    %while3A = arith.constant 1 : i32
    %while3A_62 = arith.constant 0 : i32
    %while3A_63 = arith.constant 0 : i32
    %while3A_64 = arith.subi %div3A_61, %while3A_63 : i32
    %while3A_65 = arith.addi %while3A_63, %while3A_64 : i32
    %while3A_66 = arith.constant 1 : i32
    %while3A_67 = arith.divsi %while3A_64, %while3A_66 : i32
    %while3A_68 = arith.muli %while3A_67, %while3A_66 : i32
    %while3A_69 = arith.addi %while3A_63, %while3A_68 : i32
    %while3A_70 = arith.constant 1 : i32
    %while3A_71 = scf.for %while3A_134 = %while3A_63 to %while3A_69 step %while3A_70 iter_args(%while3A_135 = %broadcast_in_dim3A_54) -> (vector<16xf32>)  : i32 {
      %mul3A_136 = arith.muli %while3A_134, %while3A : i32
      %add3A_137 = arith.addi %while3A_62, %mul3A_136 : i32
      %add3A_138 = arith.addi %mul3A_50, %add3A_137 : i32
      %mul3A_139 = arith.constant 16 : i32
      %mul3A_140 = arith.muli %add3A_138, %mul3A_139 : i32
      %get3A_141 = arith.index_cast %mul3A_140 : i32 to index
      %get3A_142 = tpu.vector_load %arg8[%get3A_141] {strides = array<i32>} : memref<100000xf32, #tpu.memory_space<vmem>>, vector<16xf32>,
      %add3A_143 = arith.addf %while3A_135, %get3A_142 : vector<16xf32>
      scf.yield %add3A_143 : vector<16xf32>
    }
    %while3A_72 = arith.constant 1 : i32
    %while3A_73 = scf.for %while3A_134 = %while3A_69 to %while3A_65 step %while3A_72 iter_args(%while3A_135 = %while3A_71) -> (vector<16xf32>)  : i32 {
      %mul3A_136 = arith.muli %while3A_134, %while3A : i32
      %add3A_137 = arith.addi %while3A_62, %mul3A_136 : i32
      %add3A_138 = arith.addi %mul3A_50, %add3A_137 : i32
      %mul3A_139 = arith.constant 16 : i32
      %mul3A_140 = arith.muli %add3A_138, %mul3A_139 : i32
      %get3A_141 = arith.index_cast %mul3A_140 : i32 to index
      %get3A_142 = tpu.vector_load %arg8[%get3A_141] {strides = array<i32>} : memref<100000xf32, #tpu.memory_space<vmem>>, vector<16xf32>,
      %add3A_143 = arith.addf %while3A_135, %get3A_142 : vector<16xf32>
      scf.yield %add3A_143 : vector<16xf32>
    }
    %swap3A = arith.constant 0 : index
    %swap3A_74 = tpu.vector_load %arg16[%swap3A] {strides = array<i32>} : memref<16xf32, #tpu.memory_space<vmem>>, vector<16xf32>,
    tpu.vector_store %arg16[%swap3A], %while3A_73 {strides = array<i32>} : memref<16xf32, #tpu.memory_space<vmem>>, vector<16xf32>,
    %dma_wait3A = tpu.memref_slice %arg4[%mul3A_15] : memref<100000xi32, #tpu.memory_space<hbm>> -> memref<3136xi32, #tpu.memory_space<hbm>>
    %dma_wait3A_75 = tpu.memref_slice %arg4[%mul3A_15] : memref<100000xi32, #tpu.memory_space<hbm>> -> memref<3136xi32, #tpu.memory_space<hbm>>
    tpu.wait_dma2 semaphore(%arg19 : memref<!tpu.dma_semaphore, #tpu.memory_space<semaphore_mem>>) src(%dma_wait3A_75 : memref<3136xi32, #tpu.memory_space<hbm>>) dst(%arg14 : memref<3136xi32, #tpu.memory_space<vmem>>)
    %broadcast_in_dim3A_76 = arith.constant 0 : i32
    %broadcast_in_dim3A_77 = vector.broadcast %broadcast_in_dim3A_76 : i32 to vector<16xi32>
    %scan3A = arith.constant 0 : i32
    %scan3A_78 = arith.constant 196 : i32
    %scan3A_79 = arith.addi %scan3A, %scan3A_78 : i32
    %scan3A_80 = arith.constant 1 : i32
    %scan3A_81 = scf.for %scan3A_134 = %scan3A to %scan3A_79 step %scan3A_80 iter_args(%scan3A_135 = %broadcast_in_dim3A_77) -> (vector<16xi32>)  : i32 {
      %mul3A_136 = arith.constant 1 : i32
      %mul3A_137 = arith.muli %scan3A_134, %mul3A_136 : i32
      %add3A_138 = arith.constant 0 : i32
      %add3A_139 = arith.addi %add3A_138, %mul3A_137 : i32
      %mul3A_140 = arith.constant 16 : i32
      %mul3A_141 = arith.muli %add3A_139, %mul3A_140 : i32
      %get3A_142 = arith.index_cast %mul3A_141 : i32 to index
      %get3A_143 = tpu.vector_load %arg14[%get3A_142] {strides = array<i32>} : memref<3136xi32, #tpu.memory_space<vmem>>, vector<16xi32>,
      %max3A = arith.maxsi %scan3A_135, %get3A_143 : vector<16xi32>
      scf.yield %max3A : vector<16xi32>
    }
    %scan3A_82 = arith.constant 196 : i32
    %swap3A_83 = arith.constant 0 : index
    %swap3A_84 = tpu.vector_load %arg17[%swap3A_83] {strides = array<i32>} : memref<16xi32, #tpu.memory_space<vmem>>, vector<16xi32>,
    tpu.vector_store %arg17[%swap3A_83], %scan3A_81 {strides = array<i32>} : memref<16xi32, #tpu.memory_space<vmem>>, vector<16xi32>,
    %broadcast_in_dim3A_85 = arith.constant 0.000000e+00 : f32
    %broadcast_in_dim3A_86 = vector.broadcast %broadcast_in_dim3A_85 : f32 to vector<16xf32>
    %swap3A_87 = arith.constant 0 : index
    %swap3A_88 = tpu.vector_load %arg15[%swap3A_87] {strides = array<i32>} : memref<16xf32, #tpu.memory_space<vmem>>, vector<16xf32>,
    tpu.vector_store %arg15[%swap3A_87], %broadcast_in_dim3A_86 {strides = array<i32>} : memref<16xf32, #tpu.memory_space<vmem>>, vector<16xf32>,
    %convert_element_type3A = arith.extui %lt3A_1 : i1 to i32
    %cond3A = arith.constant 0 : i32
    %cond3A_89 = arith.cmpi ne, %convert_element_type3A, %cond3A : i32
    scf.if %cond3A_89 {
      %mul3A_134 = arith.constant 128 : i32
      %mul3A_135 = arith.muli %select_n3A, %mul3A_134 : i32
      %dma_start3A_136 = arith.constant 0 : i32
      %dma_start3A_137 = tpu.memref_slice %arg3[%dma_start3A_136, %mul3A_135] : memref<2x6400000xi32, #tpu.memory_space<hbm>> -> memref<2x128xi32, #tpu.memory_space<hbm>>
      %dma_start3A_138 = arith.constant 0 : i32
      %dma_start3A_139 = tpu.memref_slice %arg3[%dma_start3A_138, %mul3A_135] : memref<2x6400000xi32, #tpu.memory_space<hbm>> -> memref<2x128xi32, #tpu.memory_space<hbm>>
      tpu.enqueue_dma source(%dma_start3A_139 : memref<2x128xi32, #tpu.memory_space<hbm>>) target(%arg13 : memref<2x128xi32, #tpu.memory_space<vmem>>) target_semaphore(%arg20 : memref<!tpu.dma_semaphore, #tpu.memory_space<semaphore_mem>>)
      %dma_wait3A_140 = arith.constant 0 : i32
      %dma_wait3A_141 = tpu.memref_slice %arg3[%dma_wait3A_140, %mul3A_135] : memref<2x6400000xi32, #tpu.memory_space<hbm>> -> memref<2x128xi32, #tpu.memory_space<hbm>>
      %dma_wait3A_142 = arith.constant 0 : i32
      %dma_wait3A_143 = tpu.memref_slice %arg3[%dma_wait3A_142, %mul3A_135] : memref<2x6400000xi32, #tpu.memory_space<hbm>> -> memref<2x128xi32, #tpu.memory_space<hbm>>
      tpu.wait_dma2 semaphore(%arg20 : memref<!tpu.dma_semaphore, #tpu.memory_space<semaphore_mem>>) src(%dma_wait3A_143 : memref<2x128xi32, #tpu.memory_space<hbm>>) dst(%arg13 : memref<2x128xi32, #tpu.memory_space<vmem>>)
      %broadcast_in_dim3A_144 = arith.constant 0.000000e+00 : f32
      %broadcast_in_dim3A_145 = vector.broadcast %broadcast_in_dim3A_144 : f32 to vector<16xf32>
      %scan3A_146 = arith.constant 0 : i32
      %scan3A_147 = arith.constant 8 : i32
      %scan3A_148 = arith.addi %scan3A_146, %scan3A_147 : i32
      %scan3A_149 = arith.constant 1 : i32
      %scan3A_150 = scf.for %scan3A_154 = %scan3A_146 to %scan3A_148 step %scan3A_149 iter_args(%scan3A_155 = %broadcast_in_dim3A_145) -> (vector<16xf32>)  : i32 {
        %mul3A_156 = arith.constant 16 : i32
        %mul3A_157 = arith.muli %scan3A_154, %mul3A_156 : i32
        %add3A_158 = arith.constant 0 : i32
        %add3A_159 = arith.addi %add3A_158, %mul3A_157 : i32
        %get3A_160 = arith.constant 0 : i32
        %get3A_161 = arith.index_cast %get3A_160 : i32 to index
        %get3A_162 = arith.index_cast %add3A_159 : i32 to index
        %get3A_163 = tpu.vector_load %arg13[%get3A_161, %get3A_162] {strides = array<i32>} : memref<2x128xi32, #tpu.memory_space<vmem>>, vector<16xi32>,
        %get3A_164 = arith.constant 1 : i32
        %get3A_165 = arith.index_cast %get3A_164 : i32 to index
        %get3A_166 = arith.index_cast %add3A_159 : i32 to index
        %get3A_167 = tpu.vector_load %arg13[%get3A_165, %get3A_166] {strides = array<i32>} : memref<2x128xi32, #tpu.memory_space<vmem>>, vector<16xi32>,
        %gather3A = tpu.vector_load_idx %arg8[%get3A_163] : memref<100000xf32, #tpu.memory_space<vmem>>[vector<16xi32>], vector<16xf32>,
        %gather3A_168 = tpu.vector_load_idx %arg8[%get3A_167] : memref<100000xf32, #tpu.memory_space<vmem>>[vector<16xi32>], vector<16xf32>,
        %ne3A = arith.cmpi ne, %get3A_163, %get3A_167 : vector<16xi32>
        %sub3A_169 = arith.constant 1.000000e+00 : f32
        %sub3A_170 = vector.broadcast %sub3A_169 : f32 to vector<16xf32>
        %sub3A_171 = arith.subf %sub3A_170, %gather3A : vector<16xf32>
        %sub3A_172 = arith.constant 1.000000e+00 : f32
        %sub3A_173 = vector.broadcast %sub3A_172 : f32 to vector<16xf32>
        %sub3A_174 = arith.subf %sub3A_173, %gather3A_168 : vector<16xf32>
        %mul3A_175 = arith.mulf %sub3A_171, %sub3A_174 : vector<16xf32>
        %jit3A_176 = arith.constant 0.000000e+00 : f32
        %broadcast_in_dim3A_177 = vector.broadcast %jit3A_176 : f32 to vector<16xf32>
        %select_n3A_178 = arith.select %ne3A, %mul3A_175, %broadcast_in_dim3A_177 : vector<16xi1>, vector<16xf32>
        %add3A_179 = arith.addf %scan3A_155, %select_n3A_178 : vector<16xf32>
        scf.yield %add3A_179 : vector<16xf32>
      }
      %scan3A_151 = arith.constant 8 : i32
      %swap3A_152 = arith.constant 0 : index
      %swap3A_153 = tpu.vector_load %arg15[%swap3A_152] {strides = array<i32>} : memref<16xf32, #tpu.memory_space<vmem>>, vector<16xf32>,
      tpu.vector_store %arg15[%swap3A_152], %scan3A_150 {strides = array<i32>} : memref<16xf32, #tpu.memory_space<vmem>>, vector<16xf32>,
    } else {
    }
    %get3A = arith.constant 0 : index
    %get3A_90 = tpu.vector_load %arg15[%get3A] {strides = array<i32>} : memref<16xf32, #tpu.memory_space<vmem>>, vector<16xf32>,
    %scan3A_91 = arith.constant 0 : i32
    %scan3A_92 = arith.constant 17 : i32
    %scan3A_93 = arith.addi %scan3A_91, %scan3A_92 : i32
    %scan3A_94 = arith.constant 1 : i32
    %scan3A_95 = scf.for %scan3A_134 = %scan3A_91 to %scan3A_93 step %scan3A_94 iter_args(%scan3A_135 = %get3A_90) -> (vector<16xf32>)  : i32 {
      %mul3A_136 = arith.constant 1 : i32
      %mul3A_137 = arith.muli %scan3A_134, %mul3A_136 : i32
      %add3A_138 = arith.constant 0 : i32
      %add3A_139 = arith.addi %add3A_138, %mul3A_137 : i32
      %mul3A_140 = arith.constant 4 : i32
      %mul3A_141 = arith.muli %add3A_139, %mul3A_140 : i32
      %add3A_142 = arith.constant 0 : i32
      %add3A_143 = arith.addi %mul3A_141, %add3A_142 : i32
      %mul3A_144 = arith.constant 22 : i32
      %mul3A_145 = arith.muli %add3A_143, %mul3A_144 : i32
      %add3A_146 = arith.addi %add3A_10, %mul3A_145 : i32
      %mul3A_147 = arith.constant 128 : i32
      %mul3A_148 = arith.muli %add3A_146, %mul3A_147 : i32
      %dma_wait3A_149 = arith.constant 0 : i32
      %dma_wait3A_150 = tpu.memref_slice %arg3[%dma_wait3A_149, %mul3A_148] : memref<2x6400000xi32, #tpu.memory_space<hbm>> -> memref<2x2816xi32, #tpu.memory_space<hbm>>
      %dma_wait3A_151 = arith.constant 0 : i32
      %dma_wait3A_152 = tpu.memref_slice %arg3[%dma_wait3A_151, %mul3A_148] : memref<2x6400000xi32, #tpu.memory_space<hbm>> -> memref<2x2816xi32, #tpu.memory_space<hbm>>
      tpu.wait_dma2 semaphore(%arg21 : memref<!tpu.dma_semaphore, #tpu.memory_space<semaphore_mem>>) src(%dma_wait3A_152 : memref<2x2816xi32, #tpu.memory_space<hbm>>) dst(%arg9 : memref<2x2816xi32, #tpu.memory_space<vmem>>)
      %parallel_loop3A_153 = arith.constant 0 : i32
      %parallel_loop3A_154 = arith.constant 2816 : i32
      %parallel_loop3A_155 = arith.constant 16 : i32
      %parallel_loop3A_156 = scf.for %parallel_loop3A_245 = %parallel_loop3A_153 to %parallel_loop3A_154 step %parallel_loop3A_155 iter_args(%parallel_loop3A_246 = %scan3A_135) -> (vector<16xf32>)  : i32 {
        %parallel_loop3A_247 = arith.constant 0 : i32
        %parallel_loop3A_248 = arith.index_cast %parallel_loop3A_247 : i32 to index
        %parallel_loop3A_249 = arith.index_cast %parallel_loop3A_245 : i32 to index
        %parallel_loop3A_250 = tpu.vector_load %arg9[%parallel_loop3A_248, %parallel_loop3A_249] {strides = array<i32>} : memref<2x2816xi32, #tpu.memory_space<vmem>>, vector<16xi32>,
        %parallel_loop3A_251 = arith.constant 1 : i32
        %parallel_loop3A_252 = arith.index_cast %parallel_loop3A_251 : i32 to index
        %parallel_loop3A_253 = arith.index_cast %parallel_loop3A_245 : i32 to index
        %parallel_loop3A_254 = tpu.vector_load %arg9[%parallel_loop3A_252, %parallel_loop3A_253] {strides = array<i32>} : memref<2x2816xi32, #tpu.memory_space<vmem>>, vector<16xi32>,
        %parallel_loop3A_255 = tpu.vector_load_idx %arg8[%parallel_loop3A_250] : memref<100000xf32, #tpu.memory_space<vmem>>[vector<16xi32>], vector<16xf32>,
        %parallel_loop3A_256 = tpu.vector_load_idx %arg8[%parallel_loop3A_254] : memref<100000xf32, #tpu.memory_space<vmem>>[vector<16xi32>], vector<16xf32>,
        %parallel_loop3A_257 = arith.cmpi ne, %parallel_loop3A_250, %parallel_loop3A_254 : vector<16xi32>
        %parallel_loop3A_258 = arith.constant 1.000000e+00 : f32
        %parallel_loop3A_259 = vector.broadcast %parallel_loop3A_258 : f32 to vector<16xf32>
        %parallel_loop3A_260 = arith.subf %parallel_loop3A_259, %parallel_loop3A_255 : vector<16xf32>
        %parallel_loop3A_261 = arith.constant 1.000000e+00 : f32
        %parallel_loop3A_262 = vector.broadcast %parallel_loop3A_261 : f32 to vector<16xf32>
        %parallel_loop3A_263 = arith.subf %parallel_loop3A_262, %parallel_loop3A_256 : vector<16xf32>
        %parallel_loop3A_264 = arith.mulf %parallel_loop3A_260, %parallel_loop3A_263 : vector<16xf32>
        %parallel_loop3A_265 = arith.constant 0.000000e+00 : f32
        %parallel_loop3A_266 = vector.broadcast %parallel_loop3A_265 : f32 to vector<16xf32>
        %parallel_loop3A_267 = arith.select %parallel_loop3A_257, %parallel_loop3A_264, %parallel_loop3A_266 : vector<16xi1>, vector<16xf32>
        %parallel_loop3A_268 = arith.addf %parallel_loop3A_246, %parallel_loop3A_267 : vector<16xf32>
        scf.yield %parallel_loop3A_268 : vector<16xf32>
      } {sc.loop_unroll_factor = 8 : i64, sc.parallel_access}
      %add3A_157 = arith.constant 4 : i32
      %add3A_158 = arith.addi %add3A_143, %add3A_157 : i32
      %sub3A_159 = arith.constant 1 : i32
      %sub3A_160 = arith.subi %add3A_158, %sub3A_159 : i32
      %lt3A_161 = arith.constant 71 : i32
      %lt3A_162 = arith.cmpi slt, %sub3A_160, %lt3A_161 : i32
      %gt3A = arith.constant 0 : i32
      %gt3A_163 = arith.cmpi sgt, %add3A_139, %gt3A : i32
      %and3A = arith.andi %gt3A_163, %lt3A_162 : i1
      %convert_element_type3A_164 = arith.extui %and3A : i1 to i32
      %cond3A_165 = arith.constant 0 : i32
      %cond3A_166 = arith.cmpi ne, %convert_element_type3A_164, %cond3A_165 : i32
      scf.if %cond3A_166 {
        %mul3A_245 = arith.constant 22 : i32
        %mul3A_246 = arith.muli %sub3A_160, %mul3A_245 : i32
        %add3A_247 = arith.addi %add3A_10, %mul3A_246 : i32
        %mul3A_248 = arith.constant 128 : i32
        %mul3A_249 = arith.muli %add3A_247, %mul3A_248 : i32
        %dma_start3A_250 = arith.constant 0 : i32
        %dma_start3A_251 = tpu.memref_slice %arg3[%dma_start3A_250, %mul3A_249] : memref<2x6400000xi32, #tpu.memory_space<hbm>> -> memref<2x2816xi32, #tpu.memory_space<hbm>>
        %dma_start3A_252 = arith.constant 0 : i32
        %dma_start3A_253 = tpu.memref_slice %arg3[%dma_start3A_252, %mul3A_249] : memref<2x6400000xi32, #tpu.memory_space<hbm>> -> memref<2x2816xi32, #tpu.memory_space<hbm>>
        tpu.enqueue_dma source(%dma_start3A_253 : memref<2x2816xi32, #tpu.memory_space<hbm>>) target(%arg12 : memref<2x2816xi32, #tpu.memory_space<vmem>>) target_semaphore(%arg24 : memref<!tpu.dma_semaphore, #tpu.memory_space<semaphore_mem>>)
      } else {
      }
      %mul3A_167 = arith.constant 4 : i32
      %mul3A_168 = arith.muli %add3A_139, %mul3A_167 : i32
      %add3A_169 = arith.constant 1 : i32
      %add3A_170 = arith.addi %mul3A_168, %add3A_169 : i32
      %mul3A_171 = arith.constant 22 : i32
      %mul3A_172 = arith.muli %add3A_170, %mul3A_171 : i32
      %add3A_173 = arith.addi %add3A_10, %mul3A_172 : i32
      %mul3A_174 = arith.constant 128 : i32
      %mul3A_175 = arith.muli %add3A_173, %mul3A_174 : i32
      %dma_wait3A_176 = arith.constant 0 : i32
      %dma_wait3A_177 = tpu.memref_slice %arg3[%dma_wait3A_176, %mul3A_175] : memref<2x6400000xi32, #tpu.memory_space<hbm>> -> memref<2x2816xi32, #tpu.memory_space<hbm>>
      %dma_wait3A_178 = arith.constant 0 : i32
      %dma_wait3A_179 = tpu.memref_slice %arg3[%dma_wait3A_178, %mul3A_175] : memref<2x6400000xi32, #tpu.memory_space<hbm>> -> memref<2x2816xi32, #tpu.memory_space<hbm>>
      tpu.wait_dma2 semaphore(%arg22 : memref<!tpu.dma_semaphore, #tpu.memory_space<semaphore_mem>>) src(%dma_wait3A_179 : memref<2x2816xi32, #tpu.memory_space<hbm>>) dst(%arg10 : memref<2x2816xi32, #tpu.memory_space<vmem>>)
      %parallel_loop3A_180 = arith.constant 0 : i32
      %parallel_loop3A_181 = arith.constant 2816 : i32
      %parallel_loop3A_182 = arith.constant 16 : i32
      %parallel_loop3A_183 = scf.for %parallel_loop3A_245 = %parallel_loop3A_180 to %parallel_loop3A_181 step %parallel_loop3A_182 iter_args(%parallel_loop3A_246 = %parallel_loop3A_156) -> (vector<16xf32>)  : i32 {
        %parallel_loop3A_247 = arith.constant 0 : i32
        %parallel_loop3A_248 = arith.index_cast %parallel_loop3A_247 : i32 to index
        %parallel_loop3A_249 = arith.index_cast %parallel_loop3A_245 : i32 to index
        %parallel_loop3A_250 = tpu.vector_load %arg10[%parallel_loop3A_248, %parallel_loop3A_249] {strides = array<i32>} : memref<2x2816xi32, #tpu.memory_space<vmem>>, vector<16xi32>,
        %parallel_loop3A_251 = arith.constant 1 : i32
        %parallel_loop3A_252 = arith.index_cast %parallel_loop3A_251 : i32 to index
        %parallel_loop3A_253 = arith.index_cast %parallel_loop3A_245 : i32 to index
        %parallel_loop3A_254 = tpu.vector_load %arg10[%parallel_loop3A_252, %parallel_loop3A_253] {strides = array<i32>} : memref<2x2816xi32, #tpu.memory_space<vmem>>, vector<16xi32>,
        %parallel_loop3A_255 = tpu.vector_load_idx %arg8[%parallel_loop3A_250] : memref<100000xf32, #tpu.memory_space<vmem>>[vector<16xi32>], vector<16xf32>,
        %parallel_loop3A_256 = tpu.vector_load_idx %arg8[%parallel_loop3A_254] : memref<100000xf32, #tpu.memory_space<vmem>>[vector<16xi32>], vector<16xf32>,
        %parallel_loop3A_257 = arith.cmpi ne, %parallel_loop3A_250, %parallel_loop3A_254 : vector<16xi32>
        %parallel_loop3A_258 = arith.constant 1.000000e+00 : f32
        %parallel_loop3A_259 = vector.broadcast %parallel_loop3A_258 : f32 to vector<16xf32>
        %parallel_loop3A_260 = arith.subf %parallel_loop3A_259, %parallel_loop3A_255 : vector<16xf32>
        %parallel_loop3A_261 = arith.constant 1.000000e+00 : f32
        %parallel_loop3A_262 = vector.broadcast %parallel_loop3A_261 : f32 to vector<16xf32>
        %parallel_loop3A_263 = arith.subf %parallel_loop3A_262, %parallel_loop3A_256 : vector<16xf32>
        %parallel_loop3A_264 = arith.mulf %parallel_loop3A_260, %parallel_loop3A_263 : vector<16xf32>
        %parallel_loop3A_265 = arith.constant 0.000000e+00 : f32
        %parallel_loop3A_266 = vector.broadcast %parallel_loop3A_265 : f32 to vector<16xf32>
        %parallel_loop3A_267 = arith.select %parallel_loop3A_257, %parallel_loop3A_264, %parallel_loop3A_266 : vector<16xi1>, vector<16xf32>
        %parallel_loop3A_268 = arith.addf %parallel_loop3A_246, %parallel_loop3A_267 : vector<16xf32>
        scf.yield %parallel_loop3A_268 : vector<16xf32>
      } {sc.loop_unroll_factor = 8 : i64, sc.parallel_access}
      %add3A_184 = arith.constant 4 : i32
      %add3A_185 = arith.addi %add3A_170, %add3A_184 : i32
      %sub3A_186 = arith.constant 1 : i32
      %sub3A_187 = arith.subi %add3A_185, %sub3A_186 : i32
      %lt3A_188 = arith.constant 71 : i32
      %lt3A_189 = arith.cmpi slt, %sub3A_187, %lt3A_188 : i32
      %convert_element_type3A_190 = arith.extui %lt3A_189 : i1 to i32
      %cond3A_191 = arith.constant 0 : i32
      %cond3A_192 = arith.cmpi ne, %convert_element_type3A_190, %cond3A_191 : i32
      scf.if %cond3A_192 {
        %mul3A_245 = arith.constant 22 : i32
        %mul3A_246 = arith.muli %sub3A_187, %mul3A_245 : i32
        %add3A_247 = arith.addi %add3A_10, %mul3A_246 : i32
        %mul3A_248 = arith.constant 128 : i32
        %mul3A_249 = arith.muli %add3A_247, %mul3A_248 : i32
        %dma_start3A_250 = arith.constant 0 : i32
        %dma_start3A_251 = tpu.memref_slice %arg3[%dma_start3A_250, %mul3A_249] : memref<2x6400000xi32, #tpu.memory_space<hbm>> -> memref<2x2816xi32, #tpu.memory_space<hbm>>
        %dma_start3A_252 = arith.constant 0 : i32
        %dma_start3A_253 = tpu.memref_slice %arg3[%dma_start3A_252, %mul3A_249] : memref<2x6400000xi32, #tpu.memory_space<hbm>> -> memref<2x2816xi32, #tpu.memory_space<hbm>>
        tpu.enqueue_dma source(%dma_start3A_253 : memref<2x2816xi32, #tpu.memory_space<hbm>>) target(%arg9 : memref<2x2816xi32, #tpu.memory_space<vmem>>) target_semaphore(%arg21 : memref<!tpu.dma_semaphore, #tpu.memory_space<semaphore_mem>>)
      } else {
      }
      %mul3A_193 = arith.constant 4 : i32
      %mul3A_194 = arith.muli %add3A_139, %mul3A_193 : i32
      %add3A_195 = arith.constant 2 : i32
      %add3A_196 = arith.addi %mul3A_194, %add3A_195 : i32
      %mul3A_197 = arith.constant 22 : i32
      %mul3A_198 = arith.muli %add3A_196, %mul3A_197 : i32
      %add3A_199 = arith.addi %add3A_10, %mul3A_198 : i32
      %mul3A_200 = arith.constant 128 : i32
      %mul3A_201 = arith.muli %add3A_199, %mul3A_200 : i32
      %dma_wait3A_202 = arith.constant 0 : i32
      %dma_wait3A_203 = tpu.memref_slice %arg3[%dma_wait3A_202, %mul3A_201] : memref<2x6400000xi32, #tpu.memory_space<hbm>> -> memref<2x2816xi32, #tpu.memory_space<hbm>>
      %dma_wait3A_204 = arith.constant 0 : i32
      %dma_wait3A_205 = tpu.memref_slice %arg3[%dma_wait3A_204, %mul3A_201] : memref<2x6400000xi32, #tpu.memory_space<hbm>> -> memref<2x2816xi32, #tpu.memory_space<hbm>>
      tpu.wait_dma2 semaphore(%arg23 : memref<!tpu.dma_semaphore, #tpu.memory_space<semaphore_mem>>) src(%dma_wait3A_205 : memref<2x2816xi32, #tpu.memory_space<hbm>>) dst(%arg11 : memref<2x2816xi32, #tpu.memory_space<vmem>>)
      %parallel_loop3A_206 = arith.constant 0 : i32
      %parallel_loop3A_207 = arith.constant 2816 : i32
      %parallel_loop3A_208 = arith.constant 16 : i32
      %parallel_loop3A_209 = scf.for %parallel_loop3A_245 = %parallel_loop3A_206 to %parallel_loop3A_207 step %parallel_loop3A_208 iter_args(%parallel_loop3A_246 = %parallel_loop3A_183) -> (vector<16xf32>)  : i32 {
        %parallel_loop3A_247 = arith.constant 0 : i32
        %parallel_loop3A_248 = arith.index_cast %parallel_loop3A_247 : i32 to index
        %parallel_loop3A_249 = arith.index_cast %parallel_loop3A_245 : i32 to index
        %parallel_loop3A_250 = tpu.vector_load %arg11[%parallel_loop3A_248, %parallel_loop3A_249] {strides = array<i32>} : memref<2x2816xi32, #tpu.memory_space<vmem>>, vector<16xi32>,
        %parallel_loop3A_251 = arith.constant 1 : i32
        %parallel_loop3A_252 = arith.index_cast %parallel_loop3A_251 : i32 to index
        %parallel_loop3A_253 = arith.index_cast %parallel_loop3A_245 : i32 to index
        %parallel_loop3A_254 = tpu.vector_load %arg11[%parallel_loop3A_252, %parallel_loop3A_253] {strides = array<i32>} : memref<2x2816xi32, #tpu.memory_space<vmem>>, vector<16xi32>,
        %parallel_loop3A_255 = tpu.vector_load_idx %arg8[%parallel_loop3A_250] : memref<100000xf32, #tpu.memory_space<vmem>>[vector<16xi32>], vector<16xf32>,
        %parallel_loop3A_256 = tpu.vector_load_idx %arg8[%parallel_loop3A_254] : memref<100000xf32, #tpu.memory_space<vmem>>[vector<16xi32>], vector<16xf32>,
        %parallel_loop3A_257 = arith.cmpi ne, %parallel_loop3A_250, %parallel_loop3A_254 : vector<16xi32>
        %parallel_loop3A_258 = arith.constant 1.000000e+00 : f32
        %parallel_loop3A_259 = vector.broadcast %parallel_loop3A_258 : f32 to vector<16xf32>
        %parallel_loop3A_260 = arith.subf %parallel_loop3A_259, %parallel_loop3A_255 : vector<16xf32>
        %parallel_loop3A_261 = arith.constant 1.000000e+00 : f32
        %parallel_loop3A_262 = vector.broadcast %parallel_loop3A_261 : f32 to vector<16xf32>
        %parallel_loop3A_263 = arith.subf %parallel_loop3A_262, %parallel_loop3A_256 : vector<16xf32>
        %parallel_loop3A_264 = arith.mulf %parallel_loop3A_260, %parallel_loop3A_263 : vector<16xf32>
        %parallel_loop3A_265 = arith.constant 0.000000e+00 : f32
        %parallel_loop3A_266 = vector.broadcast %parallel_loop3A_265 : f32 to vector<16xf32>
        %parallel_loop3A_267 = arith.select %parallel_loop3A_257, %parallel_loop3A_264, %parallel_loop3A_266 : vector<16xi1>, vector<16xf32>
        %parallel_loop3A_268 = arith.addf %parallel_loop3A_246, %parallel_loop3A_267 : vector<16xf32>
        scf.yield %parallel_loop3A_268 : vector<16xf32>
      } {sc.loop_unroll_factor = 8 : i64, sc.parallel_access}
      %add3A_210 = arith.constant 4 : i32
      %add3A_211 = arith.addi %add3A_196, %add3A_210 : i32
      %sub3A_212 = arith.constant 1 : i32
      %sub3A_213 = arith.subi %add3A_211, %sub3A_212 : i32
      %lt3A_214 = arith.constant 71 : i32
      %lt3A_215 = arith.cmpi slt, %sub3A_213, %lt3A_214 : i32
      %convert_element_type3A_216 = arith.extui %lt3A_215 : i1 to i32
      %cond3A_217 = arith.constant 0 : i32
      %cond3A_218 = arith.cmpi ne, %convert_element_type3A_216, %cond3A_217 : i32
      scf.if %cond3A_218 {
        %mul3A_245 = arith.constant 22 : i32
        %mul3A_246 = arith.muli %sub3A_213, %mul3A_245 : i32
        %add3A_247 = arith.addi %add3A_10, %mul3A_246 : i32
        %mul3A_248 = arith.constant 128 : i32
        %mul3A_249 = arith.muli %add3A_247, %mul3A_248 : i32
        %dma_start3A_250 = arith.constant 0 : i32
        %dma_start3A_251 = tpu.memref_slice %arg3[%dma_start3A_250, %mul3A_249] : memref<2x6400000xi32, #tpu.memory_space<hbm>> -> memref<2x2816xi32, #tpu.memory_space<hbm>>
        %dma_start3A_252 = arith.constant 0 : i32
        %dma_start3A_253 = tpu.memref_slice %arg3[%dma_start3A_252, %mul3A_249] : memref<2x6400000xi32, #tpu.memory_space<hbm>> -> memref<2x2816xi32, #tpu.memory_space<hbm>>
        tpu.enqueue_dma source(%dma_start3A_253 : memref<2x2816xi32, #tpu.memory_space<hbm>>) target(%arg10 : memref<2x2816xi32, #tpu.memory_space<vmem>>) target_semaphore(%arg22 : memref<!tpu.dma_semaphore, #tpu.memory_space<semaphore_mem>>)
      } else {
      }
      %mul3A_219 = arith.constant 4 : i32
      %mul3A_220 = arith.muli %add3A_139, %mul3A_219 : i32
      %add3A_221 = arith.constant 3 : i32
      %add3A_222 = arith.addi %mul3A_220, %add3A_221 : i32
      %mul3A_223 = arith.constant 22 : i32
      %mul3A_224 = arith.muli %add3A_222, %mul3A_223 : i32
      %add3A_225 = arith.addi %add3A_10, %mul3A_224 : i32
      %mul3A_226 = arith.constant 128 : i32
      %mul3A_227 = arith.muli %add3A_225, %mul3A_226 : i32
      %dma_wait3A_228 = arith.constant 0 : i32
      %dma_wait3A_229 = tpu.memref_slice %arg3[%dma_wait3A_228, %mul3A_227] : memref<2x6400000xi32, #tpu.memory_space<hbm>> -> memref<2x2816xi32, #tpu.memory_space<hbm>>
      %dma_wait3A_230 = arith.constant 0 : i32
      %dma_wait3A_231 = tpu.memref_slice %arg3[%dma_wait3A_230, %mul3A_227] : memref<2x6400000xi32, #tpu.memory_space<hbm>> -> memref<2x2816xi32, #tpu.memory_space<hbm>>
      tpu.wait_dma2 semaphore(%arg24 : memref<!tpu.dma_semaphore, #tpu.memory_space<semaphore_mem>>) src(%dma_wait3A_231 : memref<2x2816xi32, #tpu.memory_space<hbm>>) dst(%arg12 : memref<2x2816xi32, #tpu.memory_space<vmem>>)
      %parallel_loop3A_232 = arith.constant 0 : i32
      %parallel_loop3A_233 = arith.constant 2816 : i32
      %parallel_loop3A_234 = arith.constant 16 : i32
      %parallel_loop3A_235 = scf.for %parallel_loop3A_245 = %parallel_loop3A_232 to %parallel_loop3A_233 step %parallel_loop3A_234 iter_args(%parallel_loop3A_246 = %parallel_loop3A_209) -> (vector<16xf32>)  : i32 {
        %parallel_loop3A_247 = arith.constant 0 : i32
        %parallel_loop3A_248 = arith.index_cast %parallel_loop3A_247 : i32 to index
        %parallel_loop3A_249 = arith.index_cast %parallel_loop3A_245 : i32 to index
        %parallel_loop3A_250 = tpu.vector_load %arg12[%parallel_loop3A_248, %parallel_loop3A_249] {strides = array<i32>} : memref<2x2816xi32, #tpu.memory_space<vmem>>, vector<16xi32>,
        %parallel_loop3A_251 = arith.constant 1 : i32
        %parallel_loop3A_252 = arith.index_cast %parallel_loop3A_251 : i32 to index
        %parallel_loop3A_253 = arith.index_cast %parallel_loop3A_245 : i32 to index
        %parallel_loop3A_254 = tpu.vector_load %arg12[%parallel_loop3A_252, %parallel_loop3A_253] {strides = array<i32>} : memref<2x2816xi32, #tpu.memory_space<vmem>>, vector<16xi32>,
        %parallel_loop3A_255 = tpu.vector_load_idx %arg8[%parallel_loop3A_250] : memref<100000xf32, #tpu.memory_space<vmem>>[vector<16xi32>], vector<16xf32>,
        %parallel_loop3A_256 = tpu.vector_load_idx %arg8[%parallel_loop3A_254] : memref<100000xf32, #tpu.memory_space<vmem>>[vector<16xi32>], vector<16xf32>,
        %parallel_loop3A_257 = arith.cmpi ne, %parallel_loop3A_250, %parallel_loop3A_254 : vector<16xi32>
        %parallel_loop3A_258 = arith.constant 1.000000e+00 : f32
        %parallel_loop3A_259 = vector.broadcast %parallel_loop3A_258 : f32 to vector<16xf32>
        %parallel_loop3A_260 = arith.subf %parallel_loop3A_259, %parallel_loop3A_255 : vector<16xf32>
        %parallel_loop3A_261 = arith.constant 1.000000e+00 : f32
        %parallel_loop3A_262 = vector.broadcast %parallel_loop3A_261 : f32 to vector<16xf32>
        %parallel_loop3A_263 = arith.subf %parallel_loop3A_262, %parallel_loop3A_256 : vector<16xf32>
        %parallel_loop3A_264 = arith.mulf %parallel_loop3A_260, %parallel_loop3A_263 : vector<16xf32>
        %parallel_loop3A_265 = arith.constant 0.000000e+00 : f32
        %parallel_loop3A_266 = vector.broadcast %parallel_loop3A_265 : f32 to vector<16xf32>
        %parallel_loop3A_267 = arith.select %parallel_loop3A_257, %parallel_loop3A_264, %parallel_loop3A_266 : vector<16xi1>, vector<16xf32>
        %parallel_loop3A_268 = arith.addf %parallel_loop3A_246, %parallel_loop3A_267 : vector<16xf32>
        scf.yield %parallel_loop3A_268 : vector<16xf32>
      } {sc.loop_unroll_factor = 8 : i64, sc.parallel_access}
      %add3A_236 = arith.constant 4 : i32
      %add3A_237 = arith.addi %add3A_222, %add3A_236 : i32
      %sub3A_238 = arith.constant 1 : i32
      %sub3A_239 = arith.subi %add3A_237, %sub3A_238 : i32
      %lt3A_240 = arith.constant 71 : i32
      %lt3A_241 = arith.cmpi slt, %sub3A_239, %lt3A_240 : i32
      %convert_element_type3A_242 = arith.extui %lt3A_241 : i1 to i32
      %cond3A_243 = arith.constant 0 : i32
      %cond3A_244 = arith.cmpi ne, %convert_element_type3A_242, %cond3A_243 : i32
      scf.if %cond3A_244 {
        %mul3A_245 = arith.constant 22 : i32
        %mul3A_246 = arith.muli %sub3A_239, %mul3A_245 : i32
        %add3A_247 = arith.addi %add3A_10, %mul3A_246 : i32
        %mul3A_248 = arith.constant 128 : i32
        %mul3A_249 = arith.muli %add3A_247, %mul3A_248 : i32
        %dma_start3A_250 = arith.constant 0 : i32
        %dma_start3A_251 = tpu.memref_slice %arg3[%dma_start3A_250, %mul3A_249] : memref<2x6400000xi32, #tpu.memory_space<hbm>> -> memref<2x2816xi32, #tpu.memory_space<hbm>>
        %dma_start3A_252 = arith.constant 0 : i32
        %dma_start3A_253 = tpu.memref_slice %arg3[%dma_start3A_252, %mul3A_249] : memref<2x6400000xi32, #tpu.memory_space<hbm>> -> memref<2x2816xi32, #tpu.memory_space<hbm>>
        tpu.enqueue_dma source(%dma_start3A_253 : memref<2x2816xi32, #tpu.memory_space<hbm>>) target(%arg11 : memref<2x2816xi32, #tpu.memory_space<vmem>>) target_semaphore(%arg23 : memref<!tpu.dma_semaphore, #tpu.memory_space<semaphore_mem>>)
      } else {
      }
      scf.yield %parallel_loop3A_235 : vector<16xf32>
    }
    %scan3A_96 = arith.constant 17 : i32
    %add3A_97 = arith.constant 1496 : i32
    %add3A_98 = arith.addi %add3A_10, %add3A_97 : i32
    %mul3A_99 = arith.constant 128 : i32
    %mul3A_100 = arith.muli %add3A_98, %mul3A_99 : i32
    %dma_wait3A_101 = arith.constant 0 : i32
    %dma_wait3A_102 = tpu.memref_slice %arg3[%dma_wait3A_101, %mul3A_100] : memref<2x6400000xi32, #tpu.memory_space<hbm>> -> memref<2x2816xi32, #tpu.memory_space<hbm>>
    %dma_wait3A_103 = arith.constant 0 : i32
    %dma_wait3A_104 = tpu.memref_slice %arg3[%dma_wait3A_103, %mul3A_100] : memref<2x6400000xi32, #tpu.memory_space<hbm>> -> memref<2x2816xi32, #tpu.memory_space<hbm>>
    tpu.wait_dma2 semaphore(%arg21 : memref<!tpu.dma_semaphore, #tpu.memory_space<semaphore_mem>>) src(%dma_wait3A_104 : memref<2x2816xi32, #tpu.memory_space<hbm>>) dst(%arg9 : memref<2x2816xi32, #tpu.memory_space<vmem>>)
    %parallel_loop3A = arith.constant 0 : i32
    %parallel_loop3A_105 = arith.constant 2816 : i32
    %parallel_loop3A_106 = arith.constant 16 : i32
    %parallel_loop3A_107 = scf.for %parallel_loop3A_134 = %parallel_loop3A to %parallel_loop3A_105 step %parallel_loop3A_106 iter_args(%parallel_loop3A_135 = %scan3A_95) -> (vector<16xf32>)  : i32 {
      %parallel_loop3A_136 = arith.constant 0 : i32
      %parallel_loop3A_137 = arith.index_cast %parallel_loop3A_136 : i32 to index
      %parallel_loop3A_138 = arith.index_cast %parallel_loop3A_134 : i32 to index
      %parallel_loop3A_139 = tpu.vector_load %arg9[%parallel_loop3A_137, %parallel_loop3A_138] {strides = array<i32>} : memref<2x2816xi32, #tpu.memory_space<vmem>>, vector<16xi32>,
      %parallel_loop3A_140 = arith.constant 1 : i32
      %parallel_loop3A_141 = arith.index_cast %parallel_loop3A_140 : i32 to index
      %parallel_loop3A_142 = arith.index_cast %parallel_loop3A_134 : i32 to index
      %parallel_loop3A_143 = tpu.vector_load %arg9[%parallel_loop3A_141, %parallel_loop3A_142] {strides = array<i32>} : memref<2x2816xi32, #tpu.memory_space<vmem>>, vector<16xi32>,
      %parallel_loop3A_144 = tpu.vector_load_idx %arg8[%parallel_loop3A_139] : memref<100000xf32, #tpu.memory_space<vmem>>[vector<16xi32>], vector<16xf32>,
      %parallel_loop3A_145 = tpu.vector_load_idx %arg8[%parallel_loop3A_143] : memref<100000xf32, #tpu.memory_space<vmem>>[vector<16xi32>], vector<16xf32>,
      %parallel_loop3A_146 = arith.cmpi ne, %parallel_loop3A_139, %parallel_loop3A_143 : vector<16xi32>
      %parallel_loop3A_147 = arith.constant 1.000000e+00 : f32
      %parallel_loop3A_148 = vector.broadcast %parallel_loop3A_147 : f32 to vector<16xf32>
      %parallel_loop3A_149 = arith.subf %parallel_loop3A_148, %parallel_loop3A_144 : vector<16xf32>
      %parallel_loop3A_150 = arith.constant 1.000000e+00 : f32
      %parallel_loop3A_151 = vector.broadcast %parallel_loop3A_150 : f32 to vector<16xf32>
      %parallel_loop3A_152 = arith.subf %parallel_loop3A_151, %parallel_loop3A_145 : vector<16xf32>
      %parallel_loop3A_153 = arith.mulf %parallel_loop3A_149, %parallel_loop3A_152 : vector<16xf32>
      %parallel_loop3A_154 = arith.constant 0.000000e+00 : f32
      %parallel_loop3A_155 = vector.broadcast %parallel_loop3A_154 : f32 to vector<16xf32>
      %parallel_loop3A_156 = arith.select %parallel_loop3A_146, %parallel_loop3A_153, %parallel_loop3A_155 : vector<16xi1>, vector<16xf32>
      %parallel_loop3A_157 = arith.addf %parallel_loop3A_135, %parallel_loop3A_156 : vector<16xf32>
      scf.yield %parallel_loop3A_157 : vector<16xf32>
    } {sc.loop_unroll_factor = 8 : i64, sc.parallel_access}
    %add3A_108 = arith.constant 1518 : i32
    %add3A_109 = arith.addi %add3A_10, %add3A_108 : i32
    %mul3A_110 = arith.constant 128 : i32
    %mul3A_111 = arith.muli %add3A_109, %mul3A_110 : i32
    %dma_wait3A_112 = arith.constant 0 : i32
    %dma_wait3A_113 = tpu.memref_slice %arg3[%dma_wait3A_112, %mul3A_111] : memref<2x6400000xi32, #tpu.memory_space<hbm>> -> memref<2x2816xi32, #tpu.memory_space<hbm>>
    %dma_wait3A_114 = arith.constant 0 : i32
    %dma_wait3A_115 = tpu.memref_slice %arg3[%dma_wait3A_114, %mul3A_111] : memref<2x6400000xi32, #tpu.memory_space<hbm>> -> memref<2x2816xi32, #tpu.memory_space<hbm>>
    tpu.wait_dma2 semaphore(%arg22 : memref<!tpu.dma_semaphore, #tpu.memory_space<semaphore_mem>>) src(%dma_wait3A_115 : memref<2x2816xi32, #tpu.memory_space<hbm>>) dst(%arg10 : memref<2x2816xi32, #tpu.memory_space<vmem>>)
    %parallel_loop3A_116 = arith.constant 0 : i32
    %parallel_loop3A_117 = arith.constant 2816 : i32
    %parallel_loop3A_118 = arith.constant 16 : i32
    %parallel_loop3A_119 = scf.for %parallel_loop3A_134 = %parallel_loop3A_116 to %parallel_loop3A_117 step %parallel_loop3A_118 iter_args(%parallel_loop3A_135 = %parallel_loop3A_107) -> (vector<16xf32>)  : i32 {
      %parallel_loop3A_136 = arith.constant 0 : i32
      %parallel_loop3A_137 = arith.index_cast %parallel_loop3A_136 : i32 to index
      %parallel_loop3A_138 = arith.index_cast %parallel_loop3A_134 : i32 to index
      %parallel_loop3A_139 = tpu.vector_load %arg10[%parallel_loop3A_137, %parallel_loop3A_138] {strides = array<i32>} : memref<2x2816xi32, #tpu.memory_space<vmem>>, vector<16xi32>,
      %parallel_loop3A_140 = arith.constant 1 : i32
      %parallel_loop3A_141 = arith.index_cast %parallel_loop3A_140 : i32 to index
      %parallel_loop3A_142 = arith.index_cast %parallel_loop3A_134 : i32 to index
      %parallel_loop3A_143 = tpu.vector_load %arg10[%parallel_loop3A_141, %parallel_loop3A_142] {strides = array<i32>} : memref<2x2816xi32, #tpu.memory_space<vmem>>, vector<16xi32>,
      %parallel_loop3A_144 = tpu.vector_load_idx %arg8[%parallel_loop3A_139] : memref<100000xf32, #tpu.memory_space<vmem>>[vector<16xi32>], vector<16xf32>,
      %parallel_loop3A_145 = tpu.vector_load_idx %arg8[%parallel_loop3A_143] : memref<100000xf32, #tpu.memory_space<vmem>>[vector<16xi32>], vector<16xf32>,
      %parallel_loop3A_146 = arith.cmpi ne, %parallel_loop3A_139, %parallel_loop3A_143 : vector<16xi32>
      %parallel_loop3A_147 = arith.constant 1.000000e+00 : f32
      %parallel_loop3A_148 = vector.broadcast %parallel_loop3A_147 : f32 to vector<16xf32>
      %parallel_loop3A_149 = arith.subf %parallel_loop3A_148, %parallel_loop3A_144 : vector<16xf32>
      %parallel_loop3A_150 = arith.constant 1.000000e+00 : f32
      %parallel_loop3A_151 = vector.broadcast %parallel_loop3A_150 : f32 to vector<16xf32>
      %parallel_loop3A_152 = arith.subf %parallel_loop3A_151, %parallel_loop3A_145 : vector<16xf32>
      %parallel_loop3A_153 = arith.mulf %parallel_loop3A_149, %parallel_loop3A_152 : vector<16xf32>
      %parallel_loop3A_154 = arith.constant 0.000000e+00 : f32
      %parallel_loop3A_155 = vector.broadcast %parallel_loop3A_154 : f32 to vector<16xf32>
      %parallel_loop3A_156 = arith.select %parallel_loop3A_146, %parallel_loop3A_153, %parallel_loop3A_155 : vector<16xi1>, vector<16xf32>
      %parallel_loop3A_157 = arith.addf %parallel_loop3A_135, %parallel_loop3A_156 : vector<16xf32>
      scf.yield %parallel_loop3A_157 : vector<16xf32>
    } {sc.loop_unroll_factor = 8 : i64, sc.parallel_access}
    %add3A_120 = arith.constant 1540 : i32
    %add3A_121 = arith.addi %add3A_10, %add3A_120 : i32
    %mul3A_122 = arith.constant 128 : i32
    %mul3A_123 = arith.muli %add3A_121, %mul3A_122 : i32
    %dma_wait3A_124 = arith.constant 0 : i32
    %dma_wait3A_125 = tpu.memref_slice %arg3[%dma_wait3A_124, %mul3A_123] : memref<2x6400000xi32, #tpu.memory_space<hbm>> -> memref<2x2816xi32, #tpu.memory_space<hbm>>
    %dma_wait3A_126 = arith.constant 0 : i32
    %dma_wait3A_127 = tpu.memref_slice %arg3[%dma_wait3A_126, %mul3A_123] : memref<2x6400000xi32, #tpu.memory_space<hbm>> -> memref<2x2816xi32, #tpu.memory_space<hbm>>
    tpu.wait_dma2 semaphore(%arg23 : memref<!tpu.dma_semaphore, #tpu.memory_space<semaphore_mem>>) src(%dma_wait3A_127 : memref<2x2816xi32, #tpu.memory_space<hbm>>) dst(%arg11 : memref<2x2816xi32, #tpu.memory_space<vmem>>)
    %parallel_loop3A_128 = arith.constant 0 : i32
    %parallel_loop3A_129 = arith.constant 2816 : i32
    %parallel_loop3A_130 = arith.constant 16 : i32
    %parallel_loop3A_131 = scf.for %parallel_loop3A_134 = %parallel_loop3A_128 to %parallel_loop3A_129 step %parallel_loop3A_130 iter_args(%parallel_loop3A_135 = %parallel_loop3A_119) -> (vector<16xf32>)  : i32 {
      %parallel_loop3A_136 = arith.constant 0 : i32
      %parallel_loop3A_137 = arith.index_cast %parallel_loop3A_136 : i32 to index
      %parallel_loop3A_138 = arith.index_cast %parallel_loop3A_134 : i32 to index
      %parallel_loop3A_139 = tpu.vector_load %arg11[%parallel_loop3A_137, %parallel_loop3A_138] {strides = array<i32>} : memref<2x2816xi32, #tpu.memory_space<vmem>>, vector<16xi32>,
      %parallel_loop3A_140 = arith.constant 1 : i32
      %parallel_loop3A_141 = arith.index_cast %parallel_loop3A_140 : i32 to index
      %parallel_loop3A_142 = arith.index_cast %parallel_loop3A_134 : i32 to index
      %parallel_loop3A_143 = tpu.vector_load %arg11[%parallel_loop3A_141, %parallel_loop3A_142] {strides = array<i32>} : memref<2x2816xi32, #tpu.memory_space<vmem>>, vector<16xi32>,
      %parallel_loop3A_144 = tpu.vector_load_idx %arg8[%parallel_loop3A_139] : memref<100000xf32, #tpu.memory_space<vmem>>[vector<16xi32>], vector<16xf32>,
      %parallel_loop3A_145 = tpu.vector_load_idx %arg8[%parallel_loop3A_143] : memref<100000xf32, #tpu.memory_space<vmem>>[vector<16xi32>], vector<16xf32>,
      %parallel_loop3A_146 = arith.cmpi ne, %parallel_loop3A_139, %parallel_loop3A_143 : vector<16xi32>
      %parallel_loop3A_147 = arith.constant 1.000000e+00 : f32
      %parallel_loop3A_148 = vector.broadcast %parallel_loop3A_147 : f32 to vector<16xf32>
      %parallel_loop3A_149 = arith.subf %parallel_loop3A_148, %parallel_loop3A_144 : vector<16xf32>
      %parallel_loop3A_150 = arith.constant 1.000000e+00 : f32
      %parallel_loop3A_151 = vector.broadcast %parallel_loop3A_150 : f32 to vector<16xf32>
      %parallel_loop3A_152 = arith.subf %parallel_loop3A_151, %parallel_loop3A_145 : vector<16xf32>
      %parallel_loop3A_153 = arith.mulf %parallel_loop3A_149, %parallel_loop3A_152 : vector<16xf32>
      %parallel_loop3A_154 = arith.constant 0.000000e+00 : f32
      %parallel_loop3A_155 = vector.broadcast %parallel_loop3A_154 : f32 to vector<16xf32>
      %parallel_loop3A_156 = arith.select %parallel_loop3A_146, %parallel_loop3A_153, %parallel_loop3A_155 : vector<16xi1>, vector<16xf32>
      %parallel_loop3A_157 = arith.addf %parallel_loop3A_135, %parallel_loop3A_156 : vector<16xf32>
      scf.yield %parallel_loop3A_157 : vector<16xf32>
    } {sc.loop_unroll_factor = 8 : i64, sc.parallel_access}
    %swap3A_132 = arith.constant 0 : index
    %swap3A_133 = tpu.vector_load %arg15[%swap3A_132] {strides = array<i32>} : memref<16xf32, #tpu.memory_space<vmem>>, vector<16xf32>,
    tpu.vector_store %arg15[%swap3A_132], %parallel_loop3A_131 {strides = array<i32>} : memref<16xf32, #tpu.memory_space<vmem>>, vector<16xf32>,
    "tpu.region"() ({
      %run_scoped3A = tpu.sem_alloc : memref<!tpu.dma_semaphore, #tpu.memory_space<semaphore_mem>>
      %dma_start3A_134 = arith.constant 0 : i32
      %dma_start3A_135 = tpu.memref_slice %arg5[%add3A, %dma_start3A_134] : memref<32x16xf32, #tpu.memory_space<hbm>> -> memref<1x16xf32, #tpu.memory_space<hbm>>
      %dma_start3A_136 = tpu.memref_squeeze %dma_start3A_135 : memref<1x16xf32, #tpu.memory_space<hbm>> -> memref<16xf32, #tpu.memory_space<hbm>>
      %dma_start3A_137 = arith.constant 0 : i32
      %dma_start3A_138 = tpu.memref_slice %arg5[%add3A, %dma_start3A_137] : memref<32x16xf32, #tpu.memory_space<hbm>> -> memref<1x16xf32, #tpu.memory_space<hbm>>
      %dma_start3A_139 = tpu.memref_squeeze %dma_start3A_138 : memref<1x16xf32, #tpu.memory_space<hbm>> -> memref<16xf32, #tpu.memory_space<hbm>>
      tpu.enqueue_dma source(%arg15 : memref<16xf32, #tpu.memory_space<vmem>>) target(%dma_start3A_139 : memref<16xf32, #tpu.memory_space<hbm>>) target_semaphore(%run_scoped3A : memref<!tpu.dma_semaphore, #tpu.memory_space<semaphore_mem>>)
      %dma_wait3A_140 = arith.constant 0 : i32
      %dma_wait3A_141 = tpu.memref_slice %arg5[%add3A, %dma_wait3A_140] : memref<32x16xf32, #tpu.memory_space<hbm>> -> memref<1x16xf32, #tpu.memory_space<hbm>>
      %dma_wait3A_142 = tpu.memref_squeeze %dma_wait3A_141 : memref<1x16xf32, #tpu.memory_space<hbm>> -> memref<16xf32, #tpu.memory_space<hbm>>
      %dma_wait3A_143 = arith.constant 0 : i32
      %dma_wait3A_144 = tpu.memref_slice %arg5[%add3A, %dma_wait3A_143] : memref<32x16xf32, #tpu.memory_space<hbm>> -> memref<1x16xf32, #tpu.memory_space<hbm>>
      %dma_wait3A_145 = tpu.memref_squeeze %dma_wait3A_144 : memref<1x16xf32, #tpu.memory_space<hbm>> -> memref<16xf32, #tpu.memory_space<hbm>>
      tpu.wait_dma2 semaphore(%run_scoped3A : memref<!tpu.dma_semaphore, #tpu.memory_space<semaphore_mem>>) src(%arg15 : memref<16xf32, #tpu.memory_space<vmem>>) dst(%dma_wait3A_145 : memref<16xf32, #tpu.memory_space<hbm>>)
      tpu.yield
    }) : () -> ()
    "tpu.region"() ({
      %run_scoped3A = tpu.sem_alloc : memref<!tpu.dma_semaphore, #tpu.memory_space<semaphore_mem>>
      %dma_start3A_134 = arith.constant 0 : i32
      %dma_start3A_135 = tpu.memref_slice %arg6[%add3A, %dma_start3A_134] : memref<32x16xf32, #tpu.memory_space<hbm>> -> memref<1x16xf32, #tpu.memory_space<hbm>>
      %dma_start3A_136 = tpu.memref_squeeze %dma_start3A_135 : memref<1x16xf32, #tpu.memory_space<hbm>> -> memref<16xf32, #tpu.memory_space<hbm>>
      %dma_start3A_137 = arith.constant 0 : i32
      %dma_start3A_138 = tpu.memref_slice %arg6[%add3A, %dma_start3A_137] : memref<32x16xf32, #tpu.memory_space<hbm>> -> memref<1x16xf32, #tpu.memory_space<hbm>>
      %dma_start3A_139 = tpu.memref_squeeze %dma_start3A_138 : memref<1x16xf32, #tpu.memory_space<hbm>> -> memref<16xf32, #tpu.memory_space<hbm>>
      tpu.enqueue_dma source(%arg16 : memref<16xf32, #tpu.memory_space<vmem>>) target(%dma_start3A_139 : memref<16xf32, #tpu.memory_space<hbm>>) target_semaphore(%run_scoped3A : memref<!tpu.dma_semaphore, #tpu.memory_space<semaphore_mem>>)
      %dma_wait3A_140 = arith.constant 0 : i32
      %dma_wait3A_141 = tpu.memref_slice %arg6[%add3A, %dma_wait3A_140] : memref<32x16xf32, #tpu.memory_space<hbm>> -> memref<1x16xf32, #tpu.memory_space<hbm>>
      %dma_wait3A_142 = tpu.memref_squeeze %dma_wait3A_141 : memref<1x16xf32, #tpu.memory_space<hbm>> -> memref<16xf32, #tpu.memory_space<hbm>>
      %dma_wait3A_143 = arith.constant 0 : i32
      %dma_wait3A_144 = tpu.memref_slice %arg6[%add3A, %dma_wait3A_143] : memref<32x16xf32, #tpu.memory_space<hbm>> -> memref<1x16xf32, #tpu.memory_space<hbm>>
      %dma_wait3A_145 = tpu.memref_squeeze %dma_wait3A_144 : memref<1x16xf32, #tpu.memory_space<hbm>> -> memref<16xf32, #tpu.memory_space<hbm>>
      tpu.wait_dma2 semaphore(%run_scoped3A : memref<!tpu.dma_semaphore, #tpu.memory_space<semaphore_mem>>) src(%arg16 : memref<16xf32, #tpu.memory_space<vmem>>) dst(%dma_wait3A_145 : memref<16xf32, #tpu.memory_space<hbm>>)
      tpu.yield
    }) : () -> ()
    "tpu.region"() ({
      %run_scoped3A = tpu.sem_alloc : memref<!tpu.dma_semaphore, #tpu.memory_space<semaphore_mem>>
      %dma_start3A_134 = arith.constant 0 : i32
      %dma_start3A_135 = tpu.memref_slice %arg7[%add3A, %dma_start3A_134] : memref<32x16xi32, #tpu.memory_space<hbm>> -> memref<1x16xi32, #tpu.memory_space<hbm>>
      %dma_start3A_136 = tpu.memref_squeeze %dma_start3A_135 : memref<1x16xi32, #tpu.memory_space<hbm>> -> memref<16xi32, #tpu.memory_space<hbm>>
      %dma_start3A_137 = arith.constant 0 : i32
      %dma_start3A_138 = tpu.memref_slice %arg7[%add3A, %dma_start3A_137] : memref<32x16xi32, #tpu.memory_space<hbm>> -> memref<1x16xi32, #tpu.memory_space<hbm>>
      %dma_start3A_139 = tpu.memref_squeeze %dma_start3A_138 : memref<1x16xi32, #tpu.memory_space<hbm>> -> memref<16xi32, #tpu.memory_space<hbm>>
      tpu.enqueue_dma source(%arg17 : memref<16xi32, #tpu.memory_space<vmem>>) target(%dma_start3A_139 : memref<16xi32, #tpu.memory_space<hbm>>) target_semaphore(%run_scoped3A : memref<!tpu.dma_semaphore, #tpu.memory_space<semaphore_mem>>)
      %dma_wait3A_140 = arith.constant 0 : i32
      %dma_wait3A_141 = tpu.memref_slice %arg7[%add3A, %dma_wait3A_140] : memref<32x16xi32, #tpu.memory_space<hbm>> -> memref<1x16xi32, #tpu.memory_space<hbm>>
      %dma_wait3A_142 = tpu.memref_squeeze %dma_wait3A_141 : memref<1x16xi32, #tpu.memory_space<hbm>> -> memref<16xi32, #tpu.memory_space<hbm>>
      %dma_wait3A_143 = arith.constant 0 : i32
      %dma_wait3A_144 = tpu.memref_slice %arg7[%add3A, %dma_wait3A_143] : memref<32x16xi32, #tpu.memory_space<hbm>> -> memref<1x16xi32, #tpu.memory_space<hbm>>
      %dma_wait3A_145 = tpu.memref_squeeze %dma_wait3A_144 : memref<1x16xi32, #tpu.memory_space<hbm>> -> memref<16xi32, #tpu.memory_space<hbm>>
      tpu.wait_dma2 semaphore(%run_scoped3A : memref<!tpu.dma_semaphore, #tpu.memory_space<semaphore_mem>>) src(%arg17 : memref<16xi32, #tpu.memory_space<vmem>>) dst(%dma_wait3A_145 : memref<16xi32, #tpu.memory_space<hbm>>)
      tpu.yield
    }) : () -> ()
    return
  }
}

</mosaic_0001>

<sc_bundles>
// kernel: _sc_partials.3.cloned.1.call-start
scs
__scs_entry_jumppad:
0x0: {  	(pc) =	sbr.rel $0x88, $3  }
0x1: {  	(tag) =	ssettag $0x0;
	lr =	simm.s32 $0x1  }
0x2: {  	[smem:$0x3F9E] =	sst lr;
	_ =	strace $0xD0000000  }
0x3: {  	_ = 	snop  }
0x4: {  	_ = 	snop  }
0x5: {  	_ = 	snop  }
0x6: {  	_ = 	snop  }
0x7: {  	_ = 	snop  }
__scs_overlays_trampoline_lowered:
0x8: {  	[smem:$0x3FAD] =	sst s0  }
0x9: {  	[smem:$0x3FAE] =	sst s1  }
0xa: {  	[smem:$0x3FAF] =	sst s2  }
0xb: {  	[smem:$0x3FB0] =	sst s3  }
0xc: {  	[smem:$0x3FB1] =	sst s4  }
0xd: {  	[smem:$0x3FB2] =	sst s5  }
0xe: {  	[smem:$0x3FB3] =	sst s6  }
0xf: {  	[smem:$0x3FB4] =	sst s7  }
0x10: {  	[smem:$0x3FB5] =	sst s8  }
0x11: {  	[smem:$0x3FB6] =	sst s9;
	s0 =	simm.s32 @!p0 $0x0  }
0x12: {  	s1 =	sld [smem:$0x3F9C];
	s0 =	simm.s32 @p0 $0x1  }
0x13: {  	[smem:$0x3FB7] =	sst s0;
	s0 =	simm.s32 @!p1 $0x0  }
0x14: {  	s2 =	sld [smem:$0x3F9B];
	s0 =	simm.s32 @p1 $0x1  }
0x15: {  	[smem:$0x3FB8] =	sst s0;
	s0 =	simm.s32 @!p2 $0x0  }
0x16: {  	s3 =	sld [smem:$0x3FDB];
	s0 =	simm.s32 @p2 $0x1  }
0x17: {  	s4 =	simm.s32 $0x1BF5;
	[smem:$0x3FBA] =	sst s0  }
0x18: {  	s0 =	sld [smem:$0x3F9D];
	_ =	swait.ge [sflag:s4], $0x0  }
0x19: {  	s7 =	sld [smem:$0x3F9E]  }
0x1a: {  	s8 =	sadd.s32 $0xFFFFE003, lr  }
0x1b: {  	s9 =	sadd.s32 $0xFFFFFEF7, lr;
	s5 =	simm.s32 $0xFFFFFFFF;
	p2 =	slt.u32 s8, $0xFFFFF086  }
0x1c: {  	p1 =	slt.u32 s9, $0xF7A;
	s5 =	simm.s32 @!p2 $0x0  }
0x1d: {  	s5 =	simm.s32 @p1 $0x1;
	p0 =	seq.s32 s7, s2  }
0x1e: {  	s7 =	smul.u32 @!p0 $0xF7A, s2;
	p2 =	seq.s32 @!p0 s5, $0x0  }
0x1f: {  	s9 =	smul.u32 $0xF7A, s1;
	s8 =	simm.s32 @!p0 $0x1BF5;
	p2 =	por !p2, p0  }
0x20: {  	[sflag:s8] =	ssyncset.s32 @!p0 $0xFFFFF086;
	s6 =	sadd.s32 @!p0 s3, s7;
	s7 =	simm.s32 @!p0 $0x108  }
0x21: {  	s3 =	sadd.s32 s3, s9;
	s6 =	sadd.s32 @!p0 $0x88, s6;
	s7 =	simm.s32 @p2 $0x1082  }
0x22: {  	[simem:s7], [sflag:s8] =	dma.local @!p0 [hbm:s6], $0xF7A  }
0x23: {  	s9 =	sor.u32 $0xD0000000, s2;
	s6 =	simm.s32 $0x108;
	_ =	swait.ge @!p0 [sflag:s8], $0x0  }
0x24: {  	s3 =	sadd.s32 $0x88, s3;
	s6 =	simm.s32 @!p1 $0x1082;
	[sflag:s4] =	ssyncset.s32 $0xFFFFF086  }
0x25: {  	[simem:s6], [sflag:s4] =	dma.local [hbm:s3], $0xF7A  }
0x26: {  	[smem:$0x3F9E] =	sst s1;
	(tag) =	ssettag s2;
	_ =	strace s9  }
0x27: {  	s1 =	sld [smem:$0x3FAE]  }
0x28: {  	s2 =	sld [smem:$0x3FAF]  }
0x29: {  	s4 =	sld [smem:$0x3FB1]  }
0x2a: {  	p0 =	seq.s32 s5, $0x0;
	s5 =	sld [smem:$0x3FB2]  }
0x2b: {  	s6 =	sld [smem:$0x3FB3]  }
0x2c: {  	s7 =	sld [smem:$0x3FB4]  }
0x2d: {  	s3 =	simm.s32 $0x108;
	s8 =	sld [smem:$0x3FB5]  }
0x2e: {  	s3 =	simm.s32 @!p0 $0x1082;
	s9 =	sld [smem:$0x3FB6]  }
0x2f: {  	lr =	sadd.s32 s0, s3;
	s0 =	sld [smem:$0x3FAD]  }
0x30: {  	s3 =	sld [smem:$0x3FB0]  }
0x31: {  	[smem:$0x3FB9] =	sst s10  }
0x32: {  	s10 =	sld [smem:$0x3FB7];
	_ =	sdelay $0x3  }
0x33: {  	p0 =	seq.s32 s10, $0x1;
	s10 =	sld [smem:$0x3FB9];
	_ =	sdelay $0x3  }
0x34: {  	[smem:$0x3FB9] =	sst s10  }
0x35: {  	s10 =	sld [smem:$0x3FB8];
	_ =	sdelay $0x3  }
0x36: {  	p1 =	seq.s32 s10, $0x1;
	s10 =	sld [smem:$0x3FB9];
	_ =	sdelay $0x3  }
0x37: {  	[smem:$0x3FB9] =	sst s10  }
0x38: {  	s10 =	sld [smem:$0x3FBA]  }
0x39: {  	_ = 	snop;
	(pc) =	sbr.ind lr, $3  }
0x3a: {  	_ = 	snop  }
0x3b: {  	_ = 	snop  }
0x3c: {  	p2 =	seq.s32 s10, $0x1;
	s10 =	sld [smem:$0x3FB9]  }
0x3d: {  	_ =	shalt  }
0x3e: {  	_ =	shalt  }
0x3f: {  	_ =	shalt  }
0x40: {  	_ =	shalt  }
0x41: {  	_ =	shalt  }
0x42: {  	_ =	shalt  }
0x43: {  	_ =	shalt  }
0x44: {  	_ =	shalt  }
0x45: {  	_ =	shalt  }
0x46: {  	_ =	shalt  }
0x47: {  	_ =	shalt  }
0x48: {  	_ =	shalt  }
0x49: {  	_ =	shalt  }
0x4a: {  	_ =	shalt  }
0x4b: {  	_ =	shalt  }
0x4c: {  	_ =	shalt  }
0x4d: {  	_ =	shalt  }
0x4e: {  	_ =	shalt  }
0x4f: {  	_ =	shalt  }
0x50: {  	_ =	shalt  }
0x51: {  	_ =	shalt  }
0x52: {  	_ =	shalt  }
0x53: {  	_ =	shalt  }
0x54: {  	_ =	shalt  }
0x55: {  	_ =	shalt  }
0x56: {  	_ =	shalt  }
0x57: {  	_ =	shalt  }
0x58: {  	_ =	shalt  }
0x59: {  	_ =	shalt  }
0x5a: {  	_ =	shalt  }
0x5b: {  	_ =	shalt  }
0x5c: {  	_ =	shalt  }
0x5d: {  	_ =	shalt  }
0x5e: {  	_ =	shalt  }
0x5f: {  	_ =	shalt  }
0x60: {  	_ =	shalt  }
0x61: {  	_ =	shalt  }
0x62: {  	_ =	shalt  }
0x63: {  	_ =	shalt  }
0x64: {  	_ =	shalt  }
0x65: {  	_ =	shalt  }
0x66: {  	_ =	shalt  }
0x67: {  	_ =	shalt  }
0x68: {  	_ =	shalt  }
0x69: {  	_ =	shalt  }
0x6a: {  	_ =	shalt  }
0x6b: {  	_ =	shalt  }
0x6c: {  	_ =	shalt  }
0x6d: {  	_ =	shalt  }
0x6e: {  	_ =	shalt  }
0x6f: {  	_ =	shalt  }
0x70: {  	_ =	shalt  }
0x71: {  	_ =	shalt  }
0x72: {  	_ =	shalt  }
0x73: {  	_ =	shalt  }
0x74: {  	_ =	shalt  }
0x75: {  	_ =	shalt  }
0x76: {  	_ =	shalt  }
0x77: {  	_ =	shalt  }
0x78: {  	_ =	shalt  }
0x79: {  	_ =	shalt  }
0x7a: {  	_ =	shalt  }
0x7b: {  	_ =	shalt  }
0x7c: {  	_ =	shalt  }
0x7d: {  	_ =	shalt  }
0x7e: {  	_ =	shalt  }
0x7f: {  	_ =	shalt  }
0x80: {  	_ =	shalt  }
0x81: {  	_ =	shalt  }
0x82: {  	_ =	shalt  }
0x83: {  	_ =	shalt  }
0x84: {  	_ =	shalt  }
0x85: {  	_ =	shalt  }
0x86: {  	_ =	shalt  }
0x87: {  	_ =	shalt  }
.Lfunc_end0:
.L_simem_size_0:
called_computation_lowered:
.L_overlay_start_0:
0x88: {  	s2 =	sld [smem:$0x3FD9]  }
0x89: {  	s3 =	sld [smem:$0x3FFE];
	_ =	sdelay $0x1  }
0x8a: {  	s1 =	srdreg.scid  }
0x8b: {  	s0 =	sand.u32 $0x1, s1  }
0x8c: {  	s17 =	sshll.u32 s0, $0xA;
	s2 =	sadd.s32 s3, s2  }
0x8d: {  	s2 =	sadd.s32 s2, s17  }
0x8e: {  	[smem:$0x3FC5] =	sst s2  }
0x8f: {  	_ = 	snop  }
0x90: {  	s2 =	sld [smem:$0x3FC9]  }
0x91: {  	s18 =	sld [smem:$0x3FC8]  }
0x92: {  	s4 =	sld [smem:$0x3FC7];
	(tm) =	ssettm $0x1  }
0x93: {  	s5 =	sld [smem:$0x3FFB];
	_ =	sdelay $0x3  }
0x94: {  	_ =	strace s5  }
0x95: {  	s5 =	sld [smem:$0x3FFC];
	_ =	sdelay $0x3  }
0x96: {  	_ =	strace s5  }
0x97: {  	s5 =	sld [smem:$0x3FFD];
	_ =	sdelay $0x3  }
0x98: {  	_ =	strace s5  }
0x99: {  	_ =	strace $0x8FFFFFFF  }
0x9a: {  	s19 =	sld [smem:$0x3FDB];
	_ =	sdelay $0x1  }
0x9b: {  	s6 =	simm.s32 $_scs_section_size  }
0x9c: {  	s7 =	simm.s32 $_size__tile_overlayer_lowered;
	s8 =	simm.s32 $_tile_overlayer_lowered  }
0x9d: {  	s22 =	simm.s32 $0x1BFF;
	s21 =	sshll.u32 s8, $0x1;
	s5 =	sadd.s32 s6, s19  }
0x9e: {  	s9 =	simm.s32 $0x0;
	s20 =	sshll.u32 s7, $0x1;
	s7 =	sadd.s32 s21, s5  }
0x9f: {  	[timem:s9], [sflag:s22] =	dma.local [hbm:s7], s20  }
0xa0: {  	_ =	swait.ge [sflag:s22], s20  }
0xa1: {  	s6 =	ssub.s32 $0x0, s20;
	[sflag:s22] =	ssyncset.done $0x0  }
0xa2: {  	[sflag:s22] =	ssyncadd.s32 s6;
	_ =	sdelay $0x1  }
0xa3: {  	s23 =	simm.s32 $0x1B8B  }
0xa4: {  	_ =	swait.ge [sflag:s23], $0x1  }
0xa5: {  	[sflag:s23] =	ssyncset.done $0x0  }
0xa6: {  	s25 =	simm.s32 $0x1B8E;
	s24 =	sld [smem:$0x3FFE];
	[sflag:s23] =	ssyncadd.s32 $0xFFFFFFFF  }
0xa7: {  	s26 =	simm.s32 $execute0_lowered;
	[smem:$0x3FD2] =	sst s25  }
0xa8: {  	s7 =	sshll.u32 s26, $0x1;
	_ =	strace $0x80000046;
	[dreg:$0x1] =	wrdreg $0xFFFFFFFF  }
0xa9: {  	s28 =	simm.s32 $_size_execute0_lowered;
	s5 =	sadd.s32 s5, s7;
	[dreg:$0x0] =	wrdreg $0x0  }
0xaa: {  	s7 =	sshll.u32 s28, $0x1;
	[dreg:$0x2] =	wrdreg s5  }
0xab: {  	[dreg:$0x3] =	wrdreg s7  }
0xac: {  	[dreg:$0x4] =	wrdreg $0xC0  }
0xad: {  	_ =	task [dreg:s9], $0x5FFFF  }
0xae: {  	[dreg:$0x1] =	wrdreg $0xFFFFFFFF  }
0xaf: {  	[dreg:$0x0] =	wrdreg $0x60  }
0xb0: {  	[dreg:$0x2] =	wrdreg s2  }
0xb1: {  	[dreg:$0x3] =	wrdreg s18  }
0xb2: {  	[dreg:$0x4] =	wrdreg s4  }
0xb3: {  	[dreg:$0x5] =	wrdreg s24  }
0xb4: {  	[dreg:$0x6] =	wrdreg $0x9  }
0xb5: {  	_ =	task.clear_ibuf [dreg:s9], $0x7FFFF;
	_ =	strace $0x90000046  }
0xb6: {  	s29 =	simm.s32 $0x9;
	_ =	strace $0x80000048  }
0xb7: {  	_ =	swait.ge [sflag:s29], $0x1  }
0xb8: {  	[sflag:s29] =	ssyncadd.s32 $0xFFFFFFFF  }
0xb9: {  	_ =	strace $0x90000048  }
0xba: {  	_ =	sfence  }
0xbb: {  	s30 =	sld [smem:$0x0];
	_ =	sdelay $0x2  }
0xbc: {  	s31 =	sshll.u32 s1, $0xD;
	s1 =	sshrl.u32 s1, $0x2  }
0xbd: {  	s3 =	sand.u32 $0x4000, s31;
	s1 =	sadd.s32 s1, s30  }
0xbe: {  	s0 =	sor.u32 s3, s0;
	s1 =	sshll.u32 s1, $0x11  }
0xbf: {  	s0 =	sor.u32 s1, s0  }
0xc0: {  	s0 =	sadd.s32 $0x8F2B, s0  }
0xc1: {  	[sflag:s0] =	ssyncadd.remote.s32 $0x1  }
0xc2: {  	_ =	sfence.sel $0xFFFF  }
0xc3: {  	[dreg:$0x0] =	wrdreg $0xFFFFFFFF;
	(pc) =	sbr.abs _section_cstart, $3  }
0xc4: {  	[dreg:$0x1] =	wrdreg $0xFFFFFFFF  }
0xc5: {  	_ =	task.clear_ibuf [dreg:s9], $0x2FFFF;
	_ =	strace $0x9FFFFFFF  }
0xc6: {  	(tm) =	ssettm $0x7FFFFFFF  }
0xc7: {  	_ =	shalt  }
tec
execute0_lowered:
.L_overlay_start_1:
0x0: {  	(tag) =	ssettag $0x1  }
0x1: {  	s2 =	rddreg [dreg:$0x1]  }
0x2: {  	s0 =	srdreg.scid;
	s21 =	stileid.u32  }
0x3: {  	s1 =	rddreg [dreg:$0x2];
	s26 =	smul.u32 $0xFFFFFE78, s21  }
0x4: {  	s5 =	rddreg [dreg:$0x3];
	s0 =	sand.u32 $0x1, s0;
	s30 =	smul.u32 $0x6200, s21  }
0x5: {  	s4 =	simm.s32 $0x0;
	s3 =	sshll.u32 s21, $0x1;
	s25 =	smul.u32 $0xFFFFFF3C, s0  }
0x6: {  	s3 =	sor.u32 s0, s3;
	s22 =	ssub.s32 $0x2, s0;
	s0 =	smul.u32 $0x3100, s0  }
0x7: {  	s28 =	simm.s32 $0x2;
	s31 =	simm.s32 $0x4;
	s6 =	smul.u32 $0x61B, s3  }
0x8: {  	s29 =	simm.s32 $0x7;
	[smem:$0x7FF] =	sst s4;
	s7 =	smul.u32 $0x61A, s3  }
0x9: {  	p0 =	slt.u32 s21, $0x8;
	_ =	strace $0x80000047;
	s20 =	smul.u32 $0xC4, s3  }
0xa: {  	s19 =	sshll.u32 s3, $0x4;
	s8 =	sshrl.u32 s22, $0x1;
	s24 =	smul.u32 $0xC360, s3  }
0xb: {  	s3 =	simm.s32 $0x5;
	s16 =	sadd.s32 s19, s5;
	s18 =	ssub.s32 s22, s8  }
0xc: {  	s0 =	sadd.s32 s0, s30;
	s22 =	simm.s32 $0x18700;
	s10 =	sadd.s32 $0x10, s7  }
0xd: {  	s6 =	sadd.s32 $0x1, s6;
	s14 =	sadd.s32 $0x800, s16;
	s15 =	sadd.s32 $0xA00, s16  }
0xe: {  	s16 =	sadd.s32 $0xC00, s16;
	s18 =	smax.u32 s18, $0x1;
	s10 =	smov.u32 @p0 s6  }
0xf: {  	s6 =	smin.u32 s20, $0x17A6;
	s20 =	sshrl.u32 s0, $0x2;
	p0 =	sgt.u32 s21, $0x7  }
0x10: {  	s0 =	simm.s32 $0x6;
	s21 =	simm.s32 $0x8;
	s23 =	sshll.u32 s10, $0x5  }
0x11: {  	s6 =	sshll.u32 s6, $0x1;
	s11 =	sadd.s32 $0x58, s10;
	s12 =	sadd.s32 $0x6E, s10  }
0x12: {  	s13 =	sadd.s32 $0x84, s10;
	s19 =	sadd.s32 $0x42, s10;
	s7 =	sand.u32 $0x1FFFFFE0, s23  }
0x13: {  	s1 =	sadd.s32 s1, s6;
	s23 =	simm.s32 $0x19D00;
	s5 =	sadd.s32 s2, s7  }
0x14: {  	[dreg:$0x5] =	wrdreg s1;
	s1 =	sadd.s32 s2, s24;
	s24 =	simm.s32 $0x1B300  }
0x15: {  	s7 =	sadd.s32 $0x2C0, s5;
	[dreg:$0x6] =	wrdreg s1;
	s1 =	sadd.s32 s26, s25  }
0x16: {  	s8 =	sadd.s32 $0x580, s5;
	s9 =	sadd.s32 $0x840, s5;
	s1 =	sadd.s32 $0x186A, s1  }
0x17: {  	s26 =	simm.s32 $0x1;
	s25 =	simm.s32 $0x0;
	s17 =	smin.u32 s1, $0xC4  }
.LBB2_1:
0x18: {  	s1 =	rddreg [dreg:$0x0]  }
0x19: {  	[tilespmem:s4], [sflag:$0x1] =	stream.linear.gather [hbm4b:s1+s4], $0x18700, $0x38;
	[tilespmem:$0x1EE00] =	vst v63  }
0x1a: {  	s10 =	rddreg [dreg:$0x5];
	s6 =	simm.s32 $0x1E000  }
0x1b: {  	[tilespmem:s6], [sflag:$0x2] =	stream.linear.gather [hbm4b:s10+s4], $0xC40, $0x38;
	[tilespmem:$0x1EE00] =	vst v63  }
0x1c: {  	_ = 	snop  }
0x1d: {  	[tilespmem:s22], [sflag:$0x4] =	stream.linear.gather [hbm4b:s5+s4], $0x1600, $0x38;
	[tilespmem:$0x1EE00] =	vst v63  }
0x1e: {  	_ = 	snop  }
0x1f: {  	[tilespmem:s23], [sflag:$0x5] =	stream.linear.gather [hbm4b:s7+s4], $0x1600, $0x38;
	[tilespmem:$0x1EE00] =	vst v63  }
0x20: {  	_ = 	snop  }
0x21: {  	[tilespmem:s24], [sflag:$0x6] =	stream.linear.gather [hbm4b:s8+s4], $0x1600, $0x38;
	[tilespmem:$0x1EE00] =	vst v63  }
0x22: {  	s30 =	simm.s32 $0x1C900;
	p1 =	sne.s32 s17, $0x1  }
0x23: {  	[tilespmem:s30], [sflag:$0x7] =	stream.linear.gather [hbm4b:s9+s4], $0x1600, $0x38;
	[tilespmem:$0x1EE00] =	vst v63  }
.Ltmp0:
0x24: {  	_ = 	snop;
	(pc) =	sbr.rel @!p1 .LBB2_3-.Ltmp0, $4  }
0x25: {  	_ =	swait.ge [sflag:s26], $0x18700  }
0x26: {  	[sflag:s26] =	ssyncset.done $0x0  }
0x27: {  	[sflag:s26] =	ssyncadd.s32 $0xFFFE7900  }
0x28: {  	v0 =	vimm.f32 $0.0e+00;
	s1 =	sadd.s32 $0xFFFFFFFF, s17;
	s6 =	smov.u32 s20;
	v1 =	vld [tilespmem:s20+$0x0]  }
.LBB2_2:
0x29: {  	p1 =	sne.s32 s1, $0x1  }
.Ltmp1:
0x2a: {  	_ = 	snop;
	(pc) =	sbr.rel @p1 .LBB2_2-.Ltmp1, $3  }
0x2b: {  	_ =	sdelay $0x1  }
0x2c: {  	s1 =	sadd.s32 $0xFFFFFFFF, s1;
	s6 =	sadd.s32 $0x10, s6;
	v0 =	vadd.f32 v1, v0  }
0x2d: {  	v1 =	vld [tilespmem:s6+$0x0]  }
.LBB2_3:
0x2e: {  	_ =	sdelay $0x3  }
0x2f: {  	v0 =	vadd.f32 v1, v0;
	_ =	sdelay $0x1  }
0x30: {  	[tilespmem:$0x1ED00] =	vst v0  }
0x31: {  	_ =	swait.ge [sflag:s28], $0xC40  }
0x32: {  	[sflag:s28] =	ssyncset.done $0x0  }
0x33: {  	s6 =	simm.s32 $0x0;
	[sflag:s28] =	ssyncadd.s32 $0xFFFFF3C0  }
0x34: {  	s1 =	simm.s32 $0x40;
	v0 =	vimm.s32 $0x0;
	v1 =	vld [tilespmem:s6+$0x1E000]  }
.LBB2_4:
0x35: {  	p1 =	sne.s32 s1, $0x30C0  }
.Ltmp2:
0x36: {  	_ = 	snop;
	(pc) =	sbr.rel @p1 .LBB2_4-.Ltmp2, $3  }
0x37: {  	_ =	sdelay $0x1  }
0x38: {  	s6 =	sshra.s32 s1, $0x2;
	s1 =	sadd.s32 $0x40, s1;
	vm0 =	vgt.s32 v0, v1  }
0x39: {  	v0 =	vsel vm0, v0, v1;
	v1 =	vld [tilespmem:s6+$0x1E000]  }
0x3a: {  	_ =	sdelay $0x2  }
.Ltmp3:
0x3b: {  	_ = 	snop;
	(pc) =	sbr.rel @p0 .LBB2_7-.Ltmp3, $4  }
0x3c: {  	vm0 =	vgt.s32 v0, v1  }
0x3d: {  	v0 =	vsel vm0, v0, v1  }
0x3e: {  	[tilespmem:$0x1ED80] =	vst v0;
	v0 =	vimm.f32 $0.0e+00  }
0x3f: {  	[tilespmem:$0x1EC80] =	vst v0  }
0x40: {  	s1 =	rddreg [dreg:$0x6];
	s6 =	simm.s32 $0x1DF00;
	s30 =	simm.s32 $0x3  }
0x41: {  	[tilespmem:s6], [sflag:$0x3] =	stream.linear.gather [hbm4b:s1+s4], $0x100, $0x38;
	[tilespmem:$0x1EE00] =	vst v63  }
0x42: {  	_ =	swait.ge [sflag:s30], $0x100  }
0x43: {  	[sflag:s30] =	ssyncset.done $0x0  }
0x44: {  	[sflag:s30] =	ssyncadd.s32 $0xFFFFFF00  }
0x45: {  	v0 =	vld [tilespmem:$0x1DF00]  }
0x46: {  	v1 =	vld [tilespmem:$0x1DF80]  }
0x47: {  	v2 =	vld [tilespmem:$0x1DF10]  }
0x48: {  	v3 =	vld [tilespmem:$0x1DF90]  }
0x49: {  	v4 =	vld [tilespmem:$0x1DF20]  }
0x4a: {  	v5 =	vld [tilespmem:$0x1DFA0]  }
0x4b: {  	v7 =	vld [tilespmem:$0x1DF30]  }
0x4c: {  	v8 =	vld [tilespmem:$0x1DFB0]  }
0x4d: {  	v14 =	vld [tilespmem:$0x1DF40]  }
0x4e: {  	v17 =	vld [tilespmem:$0x1DFC0]  }
0x4f: {  	v18 =	vld [tilespmem:$0x1DF50]  }
0x50: {  	v19 =	vld [tilespmem:$0x1DFD0]  }
0x51: {  	v20 =	vld [tilespmem:$0x1DF60]  }
0x52: {  	v6 =	vld.idx.msk [tilespmem:v0+s4+$0x0], $0xffff  }
0x53: {  	v9 =	vld.idx.msk [tilespmem:v1+s4+$0x0], $0xffff  }
0x54: {  	v10 =	vld.idx.msk [tilespmem:v2+s4+$0x0], $0xffff  }
0x55: {  	v11 =	vld.idx.msk [tilespmem:v3+s4+$0x0], $0xffff  }
0x56: {  	v12 =	vld.idx.msk [tilespmem:v4+s4+$0x0], $0xffff  }
0x57: {  	v13 =	vld.idx.msk [tilespmem:v5+s4+$0x0], $0xffff  }
0x58: {  	v21 =	vld [tilespmem:$0x1DFE0]  }
0x59: {  	v16 =	vld.idx.msk [tilespmem:v8+s4+$0x0], $0xffff;
	v6 =	vsub.f32 $1.000000000e+00, v6;
	v9 =	vsub.f32 $1.000000000e+00, v9  }
0x5a: {  	v15 =	vld.idx.msk [tilespmem:v7+s4+$0x0], $0xffff  }
0x5b: {  	v22 =	vld [tilespmem:$0x1DF70];
	v50 =	vsub.f32 $1.000000000e+00, v10;
	v51 =	vsub.f32 $1.000000000e+00, v11;
	v6 =	vmul.f32 v9, v6  }
0x5c: {  	v53 =	vld [tilespmem:$0x1DFF0];
	vm1 =	veq.s32 v2, v3;
	v2 =	vsub.f32 $1.000000000e+00, v12;
	v3 =	vsub.f32 $1.000000000e+00, v13  }
0x5d: {  	vm0 =	veq.s32 v0, v1;
	v52 =	vld.idx.msk [tilespmem:v14+s4+$0x0], $0xffff;
	v1 =	vmul.f32 v51, v50;
	v0 =	vadd.f32 $0.0e+00, v6  }
0x5e: {  	v54 =	vld.idx.msk [tilespmem:v17+s4+$0x0], $0xffff;
	v56 =	vsub.f32 $1.000000000e+00, v16;
	v2 =	vmul.f32 v3, v2  }
0x5f: {  	v55 =	vld.idx.msk [tilespmem:v18+s4+$0x0], $0xffff;
	v3 =	vsub.f32 $1.000000000e+00, v15;
	v1 =	vsel vm1, $0x0, v1;
	v0 =	vsel vm0, $0x0, v0  }
0x60: {  	vm10 =	veq.s32 v4, v5;
	v57 =	vld.idx.msk [tilespmem:v19+s4+$0x0], $0xffff;
	v0 =	vadd.f32 v1, v0  }
0x61: {  	v58 =	vld.idx.msk [tilespmem:v21+s4+$0x0], $0xffff;
	v2 =	vsel vm10, $0x0, v2;
	v3 =	vmul.f32 v56, v3  }
0x62: {  	vm11 =	veq.s32 v7, v8;
	v1 =	vld.idx.msk [tilespmem:v20+s4+$0x0], $0xffff;
	v0 =	vadd.f32 v2, v0  }
0x63: {  	v60 =	vld.idx.msk [tilespmem:v22+s4+$0x0], $0xffff;
	v59 =	vsub.f32 $1.000000000e+00, v54;
	v2 =	vsel vm11, $0x0, v3;
	v3 =	vsub.f32 $1.000000000e+00, v52  }
0x64: {  	v0 =	vadd.f32 v2, v0;
	v2 =	vld.idx.msk [tilespmem:v53+s4+$0x0], $0xffff  }
0x65: {  	v61 =	vsub.f32 $1.000000000e+00, v55;
	v62 =	vsub.f32 $1.000000000e+00, v57;
	v3 =	vmul.f32 v59, v3  }
0x66: {  	vm12 =	veq.s32 v14, v17;
	v4 =	vsub.f32 $1.000000000e+00, v58  }
0x67: {  	v5 =	vmul.f32 v62, v61;
	v1 =	vsub.f32 $1.000000000e+00, v1;
	v3 =	vsel vm12, $0x0, v3  }
0x68: {  	vm13 =	veq.s32 v18, v19;
	v63 =	vsub.f32 $1.000000000e+00, v60;
	v0 =	vadd.f32 v3, v0  }
0x69: {  	v1 =	vmul.f32 v4, v1;
	v3 =	vsel vm13, $0x0, v5;
	v2 =	vsub.f32 $1.000000000e+00, v2  }
0x6a: {  	vm14 =	veq.s32 v20, v21;
	v0 =	vadd.f32 v3, v0  }
0x6b: {  	v1 =	vsel vm14, $0x0, v1;
	v2 =	vmul.f32 v2, v63  }
0x6c: {  	vm15 =	veq.s32 v22, v53;
	v0 =	vadd.f32 v1, v0  }
0x6d: {  	v1 =	vsel vm15, $0x0, v2  }
0x6e: {  	v0 =	vadd.f32 v1, v0;
	_ =	sdelay $0x1  }
0x6f: {  	[tilespmem:$0x1EC80] =	vst v0  }
.LBB2_7:
0x70: {  	s1 =	simm.s32 $0x0  }
.LBB2_8:
0x71: {  	_ =	swait.ge [sflag:s31], $0x1600  }
0x72: {  	[sflag:s31] =	ssyncset.done $0x0  }
0x73: {  	s6 =	simm.s32 $0x18780;
	[sflag:s31] =	ssyncadd.s32 $0xFFFFEA00  }
0x74: {  	v1 =	vld [tilespmem:s6+$0xFFFFFFF0]  }
0x75: {  	v3 =	vld [tilespmem:s6+$0x70]  }
0x76: {  	v5 =	vld [tilespmem:s6+$0xFFFFFFE0]  }
0x77: {  	v9 =	vld [tilespmem:s6+$0x60]  }
0x78: {  	v8 =	vld [tilespmem:s6+$0xFFFFFFD0]  }
0x79: {  	v11 =	vld [tilespmem:s6+$0x50]  }
0x7a: {  	v13 =	vld [tilespmem:s6+$0xFFFFFFC0]  }
0x7b: {  	v15 =	vld [tilespmem:s6+$0x40]  }
0x7c: {  	v2 =	vld [tilespmem:s6+$0xFFFFFF80]  }
0x7d: {  	v4 =	vld [tilespmem:s6+$0x0]  }
0x7e: {  	v6 =	vld [tilespmem:s6+$0xFFFFFF90]  }
0x7f: {  	v7 =	vld [tilespmem:s6+$0x10]  }
0x80: {  	v10 =	vld [tilespmem:s6+$0xFFFFFFA0]  }
0x81: {  	v12 =	vld [tilespmem:s6+$0x20]  }
0x82: {  	v16 =	vld [tilespmem:s6+$0xFFFFFFB0]  }
0x83: {  	v17 =	vld [tilespmem:s6+$0x30]  }
0x84: {  	v14 =	vld.idx.msk [tilespmem:v2+s4+$0x0], $0xffff  }
0x85: {  	v18 =	vld.idx.msk [tilespmem:v4+s4+$0x0], $0xffff  }
0x86: {  	v19 =	vld.idx.msk [tilespmem:v6+s4+$0x0], $0xffff  }
0x87: {  	v20 =	vld.idx.msk [tilespmem:v7+s4+$0x0], $0xffff  }
0x88: {  	v21 =	vld.idx.msk [tilespmem:v10+s4+$0x0], $0xffff  }
0x89: {  	v22 =	vld.idx.msk [tilespmem:v12+s4+$0x0], $0xffff  }
0x8a: {  	v23 =	vld.idx.msk [tilespmem:v16+s4+$0x0], $0xffff  }
0x8b: {  	v24 =	vld.idx.msk [tilespmem:v17+s4+$0x0], $0xffff;
	v14 =	vsub.f32 $1.000000000e+00, v14;
	v18 =	vsub.f32 $1.000000000e+00, v18  }
0x8c: {  	v26 =	vld.idx.msk [tilespmem:v13+s4+$0x0], $0xffff  }
0x8d: {  	v29 =	vld.idx.msk [tilespmem:v15+s4+$0x0], $0xffff;
	v19 =	vsub.f32 $1.000000000e+00, v19;
	v20 =	vsub.f32 $1.000000000e+00, v20;
	v14 =	vmul.f32 v18, v14  }
0x8e: {  	vm0 =	veq.s32 v2, v4;
	v2 =	vsub.f32 $1.000000000e+00, v21;
	v21 =	vsub.f32 $1.000000000e+00, v22;
	v22 =	vld.idx.msk [tilespmem:v9+s4+$0x0], $0xffff  }
0x8f: {  	v18 =	vld.idx.msk [tilespmem:v8+s4+$0x0], $0xffff;
	v4 =	vsel vm0, $0x0, v14;
	v14 =	vmul.f32 v20, v19  }
0x90: {  	vm14 =	veq.s32 v6, v7;
	v7 =	vsub.f32 $1.000000000e+00, v24;
	v19 =	vld.idx.msk [tilespmem:v11+s4+$0x0], $0xffff;
	v0 =	vadd.f32 v4, v0  }
0x91: {  	v2 =	vmul.f32 v21, v2;
	v20 =	vld.idx.msk [tilespmem:v5+s4+$0x0], $0xffff;
	v4 =	vsub.f32 $1.000000000e+00, v23;
	v6 =	vsel vm14, $0x0, v14  }
0x92: {  	vm15 =	veq.s32 v10, v12;
	v24 =	vsub.f32 $1.000000000e+00, v26;
	v21 =	vld.idx.msk [tilespmem:v1+s4+$0x0], $0xffff;
	v25 =	vadd.f32 v6, v0  }
0x93: {  	s10 =	simm.s32 $0x0;
	s30 =	simm.s32 $0x18880;
	v26 =	vsub.f32 $1.000000000e+00, v29;
	v28 =	vsel vm15, $0x0, v2;
	v23 =	vld.idx.msk [tilespmem:v3+s4+$0x0], $0xffff;
	v27 =	vmul.f32 v7, v4  }
.LBB2_9:
0x94: {  	v0 =	vld [tilespmem:s30+$0xFFFFFFF0];
	v2 =	vadd.f32 v28, v25;
	vm0 =	veq.s32 v16, v17;
	v4 =	vsub.f32 $1.000000000e+00, v18  }
0x95: {  	v12 =	vsub.f32 $1.000000000e+00, v19;
	v6 =	vld [tilespmem:s30+$0x70];
	v7 =	vsel vm0, $0x0, v27;
	v10 =	vmul.f32 v26, v24  }
0x96: {  	vm0 =	veq.s32 v13, v15;
	v14 =	vld [tilespmem:s30+$0xFFFFFFE0];
	v2 =	vadd.f32 v7, v2;
	v7 =	vsub.f32 $1.000000000e+00, v20  }
0x97: {  	v4 =	vmul.f32 v12, v4;
	v12 =	vsub.f32 $1.000000000e+00, v22;
	v16 =	vld [tilespmem:s30+$0x60];
	v10 =	vsel vm0, $0x0, v10  }
0x98: {  	vm0 =	veq.s32 v8, v11;
	v2 =	vadd.f32 v10, v2;
	v8 =	vld [tilespmem:s30+$0xFFFFFFD0];
	v10 =	vsub.f32 $1.000000000e+00, v21  }
0x99: {  	v4 =	vsel vm0, $0x0, v4;
	v7 =	vmul.f32 v12, v7;
	v12 =	vsub.f32 $1.000000000e+00, v23;
	v11 =	vld [tilespmem:s30+$0x50]  }
0x9a: {  	vm0 =	veq.s32 v5, v9;
	v13 =	vld [tilespmem:s30+$0xFFFFFFC0];
	v2 =	vadd.f32 v4, v2  }
0x9b: {  	v4 =	vsel vm0, $0x0, v7;
	v7 =	vmul.f32 v12, v10;
	v15 =	vld [tilespmem:s30+$0x40];
	v5 =	vmov v14  }
0x9c: {  	vm0 =	veq.s32 v1, v3;
	v1 =	vmovc v0;
	v3 =	vmovc v6;
	v10 =	vld [tilespmem:s30+$0xFFFFFF80];
	v2 =	vadd.f32 v4, v2;
	v9 =	vmov v16  }
0x9d: {  	s10 =	sadd.s32 $0x80, s10;
	v4 =	vsel vm0, $0x0, v7;
	v0 =	vld [tilespmem:s30+$0x0]  }
0x9e: {  	p1 =	slt.u32 s10, $0xA80;
	v6 =	vld [tilespmem:s30+$0xFFFFFF90];
	v2 =	vadd.f32 v4, v2  }
0x9f: {  	v4 =	vld [tilespmem:s30+$0x10]  }
0xa0: {  	v7 =	vld [tilespmem:s30+$0xFFFFFFA0]  }
0xa1: {  	v12 =	vld [tilespmem:s30+$0x20]  }
0xa2: {  	v16 =	vld [tilespmem:s30+$0xFFFFFFB0]  }
0xa3: {  	v17 =	vld [tilespmem:s30+$0x30]  }
0xa4: {  	v14 =	vld.idx.msk [tilespmem:v10+s4+$0x0], $0xffff  }
0xa5: {  	v18 =	vld.idx.msk [tilespmem:v0+s4+$0x0], $0xffff  }
0xa6: {  	v19 =	vld.idx.msk [tilespmem:v6+s4+$0x0], $0xffff  }
0xa7: {  	v20 =	vld.idx.msk [tilespmem:v4+s4+$0x0], $0xffff  }
0xa8: {  	v21 =	vld.idx.msk [tilespmem:v7+s4+$0x0], $0xffff  }
0xa9: {  	v22 =	vld.idx.msk [tilespmem:v12+s4+$0x0], $0xffff  }
0xaa: {  	v23 =	vld.idx.msk [tilespmem:v16+s4+$0x0], $0xffff  }
0xab: {  	v14 =	vsub.f32 $1.000000000e+00, v14;
	v18 =	vsub.f32 $1.000000000e+00, v18;
	v24 =	vld.idx.msk [tilespmem:v17+s4+$0x0], $0xffff  }
0xac: {  	v26 =	vld.idx.msk [tilespmem:v13+s4+$0x0], $0xffff  }
0xad: {  	v19 =	vsub.f32 $1.000000000e+00, v19;
	v14 =	vmul.f32 v18, v14;
	v20 =	vsub.f32 $1.000000000e+00, v20;
	v29 =	vld.idx.msk [tilespmem:v15+s4+$0x0], $0xffff  }
0xae: {  	vm0 =	veq.s32 v10, v0;
	v0 =	vsub.f32 $1.000000000e+00, v21;
	v18 =	vld.idx.msk [tilespmem:v8+s4+$0x0], $0xffff  }
.Ltmp4:
0xaf: {  	v10 =	vsel vm0, $0x0, v14;
	v14 =	vmul.f32 v20, v19;
	v21 =	vsub.f32 $1.000000000e+00, v22;
	v19 =	vld.idx.msk [tilespmem:v11+s4+$0x0], $0xffff;
	(pc) =	sbr.rel @p1 .LBB2_9-.Ltmp4, $4  }
0xb0: {  	vm0 =	veq.s32 v6, v4;
	v2 =	vadd.f32 v10, v2;
	v4 =	vsub.f32 $1.000000000e+00, v23;
	v20 =	vld.idx.msk [tilespmem:v5+s4+$0x0], $0xffff  }
0xb1: {  	v6 =	vsel vm0, $0x0, v14;
	v0 =	vmul.f32 v21, v0;
	v10 =	vsub.f32 $1.000000000e+00, v24;
	v22 =	vld.idx.msk [tilespmem:v9+s4+$0x0], $0xffff  }
0xb2: {  	vm0 =	veq.s32 v7, v12;
	v25 =	vadd.f32 v6, v2;
	v24 =	vsub.f32 $1.000000000e+00, v26;
	v21 =	vld.idx.msk [tilespmem:v1+s4+$0x0], $0xffff  }
0xb3: {  	s30 =	sadd.s32 $0x100, s30;
	v28 =	vsel vm0, $0x0, v0;
	v27 =	vmul.f32 v10, v4;
	v26 =	vsub.f32 $1.000000000e+00, v29;
	v23 =	vld.idx.msk [tilespmem:v3+s4+$0x0], $0xffff  }
0xb4: {  	p1 =	seq.s32 s1, $0x0  }
0xb5: {  	s6 =	smul.u32 @!p1 $0x58, s1;
	_ =	sdelay $0x1  }
0xb6: {  	s6 =	sadd.s32 @!p1 s19, s6  }
0xb7: {  	s6 =	sshll.u32 @!p1 s6, $0x5  }
0xb8: {  	s10 =	simm.s32 @!p1 $0x0;
	s30 =	simm.s32 @!p1 $0x1C900;
	s6 =	sadd.s32 @!p1 s2, s6  }
0xb9: {  	[tilespmem:s30], [sflag:$0x7] =	stream.linear.gather @!p1 [hbm4b:s6+s10], $0x1600, $0x38;
	[tilespmem:$0x1EE00] =	vst v63  }
0xba: {  	_ =	swait.ge [sflag:s3], $0x1600  }
0xbb: {  	[sflag:s3] =	ssyncset.done $0x0  }
0xbc: {  	s10 =	simm.s32 $0x19D80;
	[sflag:s3] =	ssyncadd.s32 $0xFFFFEA00  }
0xbd: {  	v0 =	vld [tilespmem:s10+$0xFFFFFFF0]  }
0xbe: {  	v2 =	vld [tilespmem:s10+$0x70]  }
0xbf: {  	v4 =	vld [tilespmem:s10+$0xFFFFFFE0]  }
0xc0: {  	v7 =	vld [tilespmem:s10+$0x60]  }
0xc1: {  	v6 =	vld [tilespmem:s10+$0xFFFFFFD0]  }
0xc2: {  	v10 =	vld [tilespmem:s10+$0x50]  }
0xc3: {  	v12 =	vld [tilespmem:s10+$0xFFFFFFC0]  }
0xc4: {  	v14 =	vld [tilespmem:s10+$0x40]  }
0xc5: {  	v29 =	vld [tilespmem:s10+$0xFFFFFF80]  }
0xc6: {  	v30 =	vld [tilespmem:s10+$0x0]  }
0xc7: {  	v31 =	vld [tilespmem:s10+$0xFFFFFF90]  }
0xc8: {  	v32 =	vld [tilespmem:s10+$0x10]  }
0xc9: {  	v33 =	vld [tilespmem:s10+$0xFFFFFFA0]  }
0xca: {  	v25 =	vadd.f32 v28, v25;
	v34 =	vld [tilespmem:s10+$0x20]  }
0xcb: {  	vm0 =	veq.s32 v16, v17;
	v18 =	vsub.f32 $1.000000000e+00, v18;
	v19 =	vsub.f32 $1.000000000e+00, v19;
	v16 =	vld [tilespmem:s10+$0xFFFFFFB0]  }
0xcc: {  	vm9 =	veq.s32 v13, v15;
	v27 =	vsel vm0, $0x0, v27;
	v24 =	vmul.f32 v26, v24;
	v17 =	vld [tilespmem:s10+$0x30]  }
0xcd: {  	vm10 =	veq.s32 v8, v11;
	v15 =	vsub.f32 $1.000000000e+00, v20;
	v25 =	vadd.f32 v27, v25;
	v26 =	vld.idx.msk [tilespmem:v29+s4+$0x0], $0xffff  }
0xce: {  	v22 =	vsub.f32 $1.000000000e+00, v22;
	v8 =	vmul.f32 v19, v18;
	v20 =	vsel vm9, $0x0, v24;
	v13 =	vld.idx.msk [tilespmem:v30+s4+$0x0], $0xffff  }
0xcf: {  	v19 =	vsub.f32 $1.000000000e+00, v21;
	v11 =	vadd.f32 v20, v25;
	v24 =	vld.idx.msk [tilespmem:v31+s4+$0x0], $0xffff  }
0xd0: {  	v15 =	vmul.f32 v22, v15;
	v20 =	vsub.f32 $1.000000000e+00, v23;
	v8 =	vsel vm10, $0x0, v8;
	v18 =	vld.idx.msk [tilespmem:v32+s4+$0x0], $0xffff  }
0xd1: {  	vm11 =	veq.s32 v5, v9;
	v8 =	vadd.f32 v8, v11;
	v21 =	vld.idx.msk [tilespmem:v33+s4+$0x0], $0xffff  }
0xd2: {  	v9 =	vsel vm11, $0x0, v15;
	v11 =	vmul.f32 v20, v19;
	v5 =	vld.idx.msk [tilespmem:v34+s4+$0x0], $0xffff  }
0xd3: {  	vm12 =	veq.s32 v1, v3;
	v8 =	vadd.f32 v9, v8;
	v15 =	vld.idx.msk [tilespmem:v16+s4+$0x0], $0xffff  }
0xd4: {  	v9 =	vsel vm12, $0x0, v11;
	v11 =	vld.idx.msk [tilespmem:v12+s4+$0x0], $0xffff;
	v1 =	vsub.f32 $1.000000000e+00, v26;
	v3 =	vsub.f32 $1.000000000e+00, v13  }
0xd5: {  	v8 =	vadd.f32 v9, v8;
	v13 =	vld.idx.msk [tilespmem:v17+s4+$0x0], $0xffff  }
0xd6: {  	v23 =	vld.idx.msk [tilespmem:v14+s4+$0x0], $0xffff;
	v19 =	vsub.f32 $1.000000000e+00, v18;
	v1 =	vmul.f32 v3, v1;
	v3 =	vsub.f32 $1.000000000e+00, v24  }
0xd7: {  	vm13 =	veq.s32 v29, v30;
	v20 =	vld.idx.msk [tilespmem:v4+s4+$0x0], $0xffff;
	v9 =	vsub.f32 $1.000000000e+00, v21;
	v5 =	vsub.f32 $1.000000000e+00, v5  }
0xd8: {  	v18 =	vld.idx.msk [tilespmem:v6+s4+$0x0], $0xffff;
	v1 =	vsel vm13, $0x0, v1;
	v3 =	vmul.f32 v19, v3  }
0xd9: {  	vm14 =	veq.s32 v31, v32;
	v5 =	vmul.f32 v5, v9;
	v19 =	vld.idx.msk [tilespmem:v10+s4+$0x0], $0xffff;
	v1 =	vadd.f32 v1, v8  }
0xda: {  	v22 =	vld.idx.msk [tilespmem:v7+s4+$0x0], $0xffff;
	v8 =	vsub.f32 $1.000000000e+00, v15;
	v9 =	vsub.f32 $1.000000000e+00, v13;
	v3 =	vsel vm14, $0x0, v3  }
0xdb: {  	vm15 =	veq.s32 v33, v34;
	v21 =	vld.idx.msk [tilespmem:v0+s4+$0x0], $0xffff;
	v26 =	vsub.f32 $1.000000000e+00, v23;
	v25 =	vadd.f32 v3, v1  }
0xdc: {  	s30 =	simm.s32 $0x19E80;
	s10 =	simm.s32 $0x0;
	v23 =	vld.idx.msk [tilespmem:v2+s4+$0x0], $0xffff;
	v24 =	vsub.f32 $1.000000000e+00, v11;
	v28 =	vsel vm15, $0x0, v5;
	v27 =	vmul.f32 v9, v8  }
.LBB2_11:
0xdd: {  	v1 =	vld [tilespmem:s30+$0xFFFFFFF0];
	v3 =	vadd.f32 v28, v25;
	vm0 =	veq.s32 v16, v17;
	v5 =	vsub.f32 $1.000000000e+00, v18  }
0xde: {  	v13 =	vsub.f32 $1.000000000e+00, v19;
	v8 =	vld [tilespmem:s30+$0x70];
	v9 =	vsel vm0, $0x0, v27;
	v11 =	vmul.f32 v26, v24  }
0xdf: {  	vm0 =	veq.s32 v12, v14;
	v15 =	vld [tilespmem:s30+$0xFFFFFFE0];
	v3 =	vadd.f32 v9, v3;
	v9 =	vsub.f32 $1.000000000e+00, v20  }
0xe0: {  	v5 =	vmul.f32 v13, v5;
	v12 =	vsub.f32 $1.000000000e+00, v22;
	v16 =	vld [tilespmem:s30+$0x60];
	v11 =	vsel vm0, $0x0, v11  }
0xe1: {  	vm0 =	veq.s32 v6, v10;
	v3 =	vadd.f32 v11, v3;
	v6 =	vld [tilespmem:s30+$0xFFFFFFD0];
	v11 =	vsub.f32 $1.000000000e+00, v21  }
0xe2: {  	v5 =	vsel vm0, $0x0, v5;
	v9 =	vmul.f32 v12, v9;
	v13 =	vsub.f32 $1.000000000e+00, v23;
	v10 =	vld [tilespmem:s30+$0x50]  }
0xe3: {  	vm0 =	veq.s32 v4, v7;
	v12 =	vld [tilespmem:s30+$0xFFFFFFC0];
	v3 =	vadd.f32 v5, v3  }
0xe4: {  	v5 =	vsel vm0, $0x0, v9;
	v9 =	vmul.f32 v13, v11;
	v14 =	vld [tilespmem:s30+$0x40];
	v4 =	vmov v15  }
0xe5: {  	vm0 =	veq.s32 v0, v2;
	v0 =	vmovc v1;
	v2 =	vmovc v8;
	v11 =	vld [tilespmem:s30+$0xFFFFFF80];
	v3 =	vadd.f32 v5, v3;
	v7 =	vmov v16  }
0xe6: {  	s10 =	sadd.s32 $0x80, s10;
	v5 =	vsel vm0, $0x0, v9;
	v1 =	vld [tilespmem:s30+$0x0]  }
0xe7: {  	p1 =	slt.u32 s10, $0xA80;
	v8 =	vld [tilespmem:s30+$0xFFFFFF90];
	v3 =	vadd.f32 v5, v3  }
0xe8: {  	v5 =	vld [tilespmem:s30+$0x10]  }
0xe9: {  	v9 =	vld [tilespmem:s30+$0xFFFFFFA0]  }
0xea: {  	v13 =	vld [tilespmem:s30+$0x20]  }
0xeb: {  	v16 =	vld [tilespmem:s30+$0xFFFFFFB0]  }
0xec: {  	v17 =	vld [tilespmem:s30+$0x30]  }
0xed: {  	v15 =	vld.idx.msk [tilespmem:v11+s4+$0x0], $0xffff  }
0xee: {  	v18 =	vld.idx.msk [tilespmem:v1+s4+$0x0], $0xffff  }
0xef: {  	v19 =	vld.idx.msk [tilespmem:v8+s4+$0x0], $0xffff  }
0xf0: {  	v20 =	vld.idx.msk [tilespmem:v5+s4+$0x0], $0xffff  }
0xf1: {  	v21 =	vld.idx.msk [tilespmem:v9+s4+$0x0], $0xffff  }
0xf2: {  	v22 =	vld.idx.msk [tilespmem:v13+s4+$0x0], $0xffff  }
0xf3: {  	v23 =	vld.idx.msk [tilespmem:v16+s4+$0x0], $0xffff  }
0xf4: {  	v15 =	vsub.f32 $1.000000000e+00, v15;
	v18 =	vsub.f32 $1.000000000e+00, v18;
	v24 =	vld.idx.msk [tilespmem:v17+s4+$0x0], $0xffff  }
0xf5: {  	v26 =	vld.idx.msk [tilespmem:v12+s4+$0x0], $0xffff  }
0xf6: {  	v19 =	vsub.f32 $1.000000000e+00, v19;
	v15 =	vmul.f32 v18, v15;
	v20 =	vsub.f32 $1.000000000e+00, v20;
	v29 =	vld.idx.msk [tilespmem:v14+s4+$0x0], $0xffff  }
0xf7: {  	vm0 =	veq.s32 v11, v1;
	v1 =	vsub.f32 $1.000000000e+00, v21;
	v18 =	vld.idx.msk [tilespmem:v6+s4+$0x0], $0xffff  }
.Ltmp5:
0xf8: {  	v11 =	vsel vm0, $0x0, v15;
	v15 =	vmul.f32 v20, v19;
	v21 =	vsub.f32 $1.000000000e+00, v22;
	v19 =	vld.idx.msk [tilespmem:v10+s4+$0x0], $0xffff;
	(pc) =	sbr.rel @p1 .LBB2_11-.Ltmp5, $4  }
0xf9: {  	vm0 =	veq.s32 v8, v5;
	v3 =	vadd.f32 v11, v3;
	v5 =	vsub.f32 $1.000000000e+00, v23;
	v20 =	vld.idx.msk [tilespmem:v4+s4+$0x0], $0xffff  }
0xfa: {  	v8 =	vsel vm0, $0x0, v15;
	v1 =	vmul.f32 v21, v1;
	v11 =	vsub.f32 $1.000000000e+00, v24;
	v22 =	vld.idx.msk [tilespmem:v7+s4+$0x0], $0xffff  }
0xfb: {  	vm0 =	veq.s32 v9, v13;
	v25 =	vadd.f32 v8, v3;
	v24 =	vsub.f32 $1.000000000e+00, v26;
	v21 =	vld.idx.msk [tilespmem:v0+s4+$0x0], $0xffff  }
0xfc: {  	s30 =	sadd.s32 $0x100, s30;
	v28 =	vsel vm0, $0x0, v1;
	v27 =	vmul.f32 v11, v5;
	v26 =	vsub.f32 $1.000000000e+00, v29;
	v23 =	vld.idx.msk [tilespmem:v2+s4+$0x0], $0xffff  }
0xfd: {  	s10 =	smul.u32 $0x58, s1;
	_ =	sdelay $0x1  }
0xfe: {  	s6 =	sadd.s32 s10, s11  }
0xff: {  	s6 =	sshll.u32 s6, $0x5  }
0x100: {  	s6 =	sadd.s32 s2, s6  }
0x101: {  	[tilespmem:s22], [sflag:$0x4] =	stream.linear.gather [hbm4b:s6+s4], $0x1600, $0x38;
	[tilespmem:$0x1EE00] =	vst v63  }
0x102: {  	_ =	swait.ge [sflag:s0], $0x1600  }
0x103: {  	[sflag:s0] =	ssyncset.done $0x0  }
0x104: {  	s6 =	simm.s32 $0x1B380;
	[sflag:s0] =	ssyncadd.s32 $0xFFFFEA00  }
0x105: {  	v1 =	vld [tilespmem:s6+$0xFFFFFFF0]  }
0x106: {  	v3 =	vld [tilespmem:s6+$0x70]  }
0x107: {  	v5 =	vld [tilespmem:s6+$0xFFFFFFE0]  }
0x108: {  	v9 =	vld [tilespmem:s6+$0x60]  }
0x109: {  	v8 =	vld [tilespmem:s6+$0xFFFFFFD0]  }
0x10a: {  	v11 =	vld [tilespmem:s6+$0x50]  }
0x10b: {  	v13 =	vld [tilespmem:s6+$0xFFFFFFC0]  }
0x10c: {  	v15 =	vld [tilespmem:s6+$0x40]  }
0x10d: {  	v29 =	vld [tilespmem:s6+$0xFFFFFF80]  }
0x10e: {  	v30 =	vld [tilespmem:s6+$0x0]  }
0x10f: {  	v31 =	vld [tilespmem:s6+$0xFFFFFF90]  }
0x110: {  	v32 =	vld [tilespmem:s6+$0x10]  }
0x111: {  	v33 =	vld [tilespmem:s6+$0xFFFFFFA0]  }
0x112: {  	v25 =	vadd.f32 v28, v25;
	v34 =	vld [tilespmem:s6+$0x20]  }
0x113: {  	vm0 =	veq.s32 v16, v17;
	v18 =	vsub.f32 $1.000000000e+00, v18;
	v19 =	vsub.f32 $1.000000000e+00, v19;
	v16 =	vld [tilespmem:s6+$0xFFFFFFB0]  }
0x114: {  	vm9 =	veq.s32 v12, v14;
	v27 =	vsel vm0, $0x0, v27;
	v24 =	vmul.f32 v26, v24;
	v17 =	vld [tilespmem:s6+$0x30]  }
0x115: {  	vm10 =	veq.s32 v6, v10;
	v14 =	vsub.f32 $1.000000000e+00, v20;
	v25 =	vadd.f32 v27, v25;
	v26 =	vld.idx.msk [tilespmem:v29+s4+$0x0], $0xffff  }
0x116: {  	v22 =	vsub.f32 $1.000000000e+00, v22;
	v6 =	vmul.f32 v19, v18;
	v20 =	vsel vm9, $0x0, v24;
	v12 =	vld.idx.msk [tilespmem:v30+s4+$0x0], $0xffff  }
0x117: {  	v19 =	vsub.f32 $1.000000000e+00, v21;
	v10 =	vadd.f32 v20, v25;
	v24 =	vld.idx.msk [tilespmem:v31+s4+$0x0], $0xffff  }
0x118: {  	v14 =	vmul.f32 v22, v14;
	v20 =	vsub.f32 $1.000000000e+00, v23;
	v6 =	vsel vm10, $0x0, v6;
	v18 =	vld.idx.msk [tilespmem:v32+s4+$0x0], $0xffff  }
0x119: {  	vm11 =	veq.s32 v4, v7;
	v6 =	vadd.f32 v6, v10;
	v21 =	vld.idx.msk [tilespmem:v33+s4+$0x0], $0xffff  }
0x11a: {  	v7 =	vsel vm11, $0x0, v14;
	v10 =	vmul.f32 v20, v19;
	v4 =	vld.idx.msk [tilespmem:v34+s4+$0x0], $0xffff  }
0x11b: {  	vm12 =	veq.s32 v0, v2;
	v6 =	vadd.f32 v7, v6;
	v14 =	vld.idx.msk [tilespmem:v16+s4+$0x0], $0xffff  }
0x11c: {  	v7 =	vsel vm12, $0x0, v10;
	v10 =	vld.idx.msk [tilespmem:v13+s4+$0x0], $0xffff;
	v0 =	vsub.f32 $1.000000000e+00, v26;
	v2 =	vsub.f32 $1.000000000e+00, v12  }
0x11d: {  	v6 =	vadd.f32 v7, v6;
	v12 =	vld.idx.msk [tilespmem:v17+s4+$0x0], $0xffff  }
0x11e: {  	v23 =	vld.idx.msk [tilespmem:v15+s4+$0x0], $0xffff;
	v19 =	vsub.f32 $1.000000000e+00, v18;
	v0 =	vmul.f32 v2, v0;
	v2 =	vsub.f32 $1.000000000e+00, v24  }
0x11f: {  	vm13 =	veq.s32 v29, v30;
	v20 =	vld.idx.msk [tilespmem:v5+s4+$0x0], $0xffff;
	v7 =	vsub.f32 $1.000000000e+00, v21;
	v4 =	vsub.f32 $1.000000000e+00, v4  }
0x120: {  	v18 =	vld.idx.msk [tilespmem:v8+s4+$0x0], $0xffff;
	v0 =	vsel vm13, $0x0, v0;
	v2 =	vmul.f32 v19, v2  }
0x121: {  	vm14 =	veq.s32 v31, v32;
	v4 =	vmul.f32 v4, v7;
	v19 =	vld.idx.msk [tilespmem:v11+s4+$0x0], $0xffff;
	v0 =	vadd.f32 v0, v6  }
0x122: {  	v22 =	vld.idx.msk [tilespmem:v9+s4+$0x0], $0xffff;
	v6 =	vsub.f32 $1.000000000e+00, v14;
	v7 =	vsub.f32 $1.000000000e+00, v12;
	v2 =	vsel vm14, $0x0, v2  }
0x123: {  	vm15 =	veq.s32 v33, v34;
	v21 =	vld.idx.msk [tilespmem:v1+s4+$0x0], $0xffff;
	v26 =	vsub.f32 $1.000000000e+00, v23;
	v25 =	vadd.f32 v2, v0  }
0x124: {  	s30 =	simm.s32 $0x0;
	s6 =	simm.s32 $0x1B480;
	v23 =	vld.idx.msk [tilespmem:v3+s4+$0x0], $0xffff;
	v24 =	vsub.f32 $1.000000000e+00, v10;
	v28 =	vsel vm15, $0x0, v4;
	v27 =	vmul.f32 v7, v6  }
.LBB2_13:
0x125: {  	v0 =	vld [tilespmem:s6+$0xFFFFFFF0];
	v2 =	vadd.f32 v28, v25;
	vm0 =	veq.s32 v16, v17;
	v4 =	vsub.f32 $1.000000000e+00, v18  }
0x126: {  	v12 =	vsub.f32 $1.000000000e+00, v19;
	v6 =	vld [tilespmem:s6+$0x70];
	v7 =	vsel vm0, $0x0, v27;
	v10 =	vmul.f32 v26, v24  }
0x127: {  	vm0 =	veq.s32 v13, v15;
	v14 =	vld [tilespmem:s6+$0xFFFFFFE0];
	v2 =	vadd.f32 v7, v2;
	v7 =	vsub.f32 $1.000000000e+00, v20  }
0x128: {  	v4 =	vmul.f32 v12, v4;
	v12 =	vsub.f32 $1.000000000e+00, v22;
	v16 =	vld [tilespmem:s6+$0x60];
	v10 =	vsel vm0, $0x0, v10  }
0x129: {  	vm0 =	veq.s32 v8, v11;
	v2 =	vadd.f32 v10, v2;
	v8 =	vld [tilespmem:s6+$0xFFFFFFD0];
	v10 =	vsub.f32 $1.000000000e+00, v21  }
0x12a: {  	v4 =	vsel vm0, $0x0, v4;
	v7 =	vmul.f32 v12, v7;
	v12 =	vsub.f32 $1.000000000e+00, v23;
	v11 =	vld [tilespmem:s6+$0x50]  }
0x12b: {  	vm0 =	veq.s32 v5, v9;
	v13 =	vld [tilespmem:s6+$0xFFFFFFC0];
	v2 =	vadd.f32 v4, v2  }
0x12c: {  	v4 =	vsel vm0, $0x0, v7;
	v7 =	vmul.f32 v12, v10;
	v15 =	vld [tilespmem:s6+$0x40];
	v5 =	vmov v14  }
0x12d: {  	vm0 =	veq.s32 v1, v3;
	v1 =	vmovc v0;
	v3 =	vmovc v6;
	v10 =	vld [tilespmem:s6+$0xFFFFFF80];
	v2 =	vadd.f32 v4, v2;
	v9 =	vmov v16  }
0x12e: {  	s30 =	sadd.s32 $0x80, s30;
	v4 =	vsel vm0, $0x0, v7;
	v0 =	vld [tilespmem:s6+$0x0]  }
0x12f: {  	p1 =	slt.u32 s30, $0xA80;
	v6 =	vld [tilespmem:s6+$0xFFFFFF90];
	v2 =	vadd.f32 v4, v2  }
0x130: {  	v4 =	vld [tilespmem:s6+$0x10]  }
0x131: {  	v7 =	vld [tilespmem:s6+$0xFFFFFFA0]  }
0x132: {  	v12 =	vld [tilespmem:s6+$0x20]  }
0x133: {  	v16 =	vld [tilespmem:s6+$0xFFFFFFB0]  }
0x134: {  	v17 =	vld [tilespmem:s6+$0x30]  }
0x135: {  	v14 =	vld.idx.msk [tilespmem:v10+s4+$0x0], $0xffff  }
0x136: {  	v18 =	vld.idx.msk [tilespmem:v0+s4+$0x0], $0xffff  }
0x137: {  	v19 =	vld.idx.msk [tilespmem:v6+s4+$0x0], $0xffff  }
0x138: {  	v20 =	vld.idx.msk [tilespmem:v4+s4+$0x0], $0xffff  }
0x139: {  	v21 =	vld.idx.msk [tilespmem:v7+s4+$0x0], $0xffff  }
0x13a: {  	v22 =	vld.idx.msk [tilespmem:v12+s4+$0x0], $0xffff  }
0x13b: {  	v23 =	vld.idx.msk [tilespmem:v16+s4+$0x0], $0xffff  }
0x13c: {  	v14 =	vsub.f32 $1.000000000e+00, v14;
	v18 =	vsub.f32 $1.000000000e+00, v18;
	v24 =	vld.idx.msk [tilespmem:v17+s4+$0x0], $0xffff  }
0x13d: {  	v26 =	vld.idx.msk [tilespmem:v13+s4+$0x0], $0xffff  }
0x13e: {  	v19 =	vsub.f32 $1.000000000e+00, v19;
	v14 =	vmul.f32 v18, v14;
	v20 =	vsub.f32 $1.000000000e+00, v20;
	v29 =	vld.idx.msk [tilespmem:v15+s4+$0x0], $0xffff  }
0x13f: {  	vm0 =	veq.s32 v10, v0;
	v0 =	vsub.f32 $1.000000000e+00, v21;
	v18 =	vld.idx.msk [tilespmem:v8+s4+$0x0], $0xffff  }
.Ltmp6:
0x140: {  	v10 =	vsel vm0, $0x0, v14;
	v14 =	vmul.f32 v20, v19;
	v21 =	vsub.f32 $1.000000000e+00, v22;
	v19 =	vld.idx.msk [tilespmem:v11+s4+$0x0], $0xffff;
	(pc) =	sbr.rel @p1 .LBB2_13-.Ltmp6, $4  }
0x141: {  	vm0 =	veq.s32 v6, v4;
	v2 =	vadd.f32 v10, v2;
	v4 =	vsub.f32 $1.000000000e+00, v23;
	v20 =	vld.idx.msk [tilespmem:v5+s4+$0x0], $0xffff  }
0x142: {  	v6 =	vsel vm0, $0x0, v14;
	v0 =	vmul.f32 v21, v0;
	v10 =	vsub.f32 $1.000000000e+00, v24;
	v22 =	vld.idx.msk [tilespmem:v9+s4+$0x0], $0xffff  }
0x143: {  	vm0 =	veq.s32 v7, v12;
	v25 =	vadd.f32 v6, v2;
	v24 =	vsub.f32 $1.000000000e+00, v26;
	v21 =	vld.idx.msk [tilespmem:v1+s4+$0x0], $0xffff  }
0x144: {  	s6 =	sadd.s32 $0x100, s6;
	v28 =	vsel vm0, $0x0, v0;
	v27 =	vmul.f32 v10, v4;
	v26 =	vsub.f32 $1.000000000e+00, v29;
	v23 =	vld.idx.msk [tilespmem:v3+s4+$0x0], $0xffff  }
0x145: {  	s6 =	sadd.s32 s10, s12  }
0x146: {  	s6 =	sshll.u32 s6, $0x5  }
0x147: {  	s6 =	sadd.s32 s2, s6  }
0x148: {  	[tilespmem:s23], [sflag:$0x5] =	stream.linear.gather [hbm4b:s6+s4], $0x1600, $0x38;
	[tilespmem:$0x1EE00] =	vst v63  }
0x149: {  	_ =	swait.ge [sflag:s29], $0x1600  }
0x14a: {  	[sflag:s29] =	ssyncset.done $0x0  }
0x14b: {  	s6 =	simm.s32 $0x1C980;
	[sflag:s29] =	ssyncadd.s32 $0xFFFFEA00  }
0x14c: {  	v0 =	vld [tilespmem:s6+$0xFFFFFFF0]  }
0x14d: {  	v2 =	vld [tilespmem:s6+$0x70]  }
0x14e: {  	v4 =	vld [tilespmem:s6+$0xFFFFFFE0]  }
0x14f: {  	v7 =	vld [tilespmem:s6+$0x60]  }
0x150: {  	v6 =	vld [tilespmem:s6+$0xFFFFFFD0]  }
0x151: {  	v10 =	vld [tilespmem:s6+$0x50]  }
0x152: {  	v12 =	vld [tilespmem:s6+$0xFFFFFFC0]  }
0x153: {  	v14 =	vld [tilespmem:s6+$0x40]  }
0x154: {  	v29 =	vld [tilespmem:s6+$0xFFFFFF80]  }
0x155: {  	v30 =	vld [tilespmem:s6+$0x0]  }
0x156: {  	v31 =	vld [tilespmem:s6+$0xFFFFFF90]  }
0x157: {  	v32 =	vld [tilespmem:s6+$0x10]  }
0x158: {  	v33 =	vld [tilespmem:s6+$0xFFFFFFA0]  }
0x159: {  	v25 =	vadd.f32 v28, v25;
	v34 =	vld [tilespmem:s6+$0x20]  }
0x15a: {  	vm0 =	veq.s32 v16, v17;
	v18 =	vsub.f32 $1.000000000e+00, v18;
	v19 =	vsub.f32 $1.000000000e+00, v19;
	v16 =	vld [tilespmem:s6+$0xFFFFFFB0]  }
0x15b: {  	vm9 =	veq.s32 v13, v15;
	v27 =	vsel vm0, $0x0, v27;
	v24 =	vmul.f32 v26, v24;
	v17 =	vld [tilespmem:s6+$0x30]  }
0x15c: {  	vm10 =	veq.s32 v8, v11;
	v15 =	vsub.f32 $1.000000000e+00, v20;
	v25 =	vadd.f32 v27, v25;
	v62 =	vld.idx.msk [tilespmem:v29+s4+$0x0], $0xffff  }
0x15d: {  	v22 =	vsub.f32 $1.000000000e+00, v22;
	v8 =	vmul.f32 v19, v18;
	v20 =	vsel vm9, $0x0, v24;
	v13 =	vld.idx.msk [tilespmem:v30+s4+$0x0], $0xffff  }
0x15e: {  	v19 =	vsub.f32 $1.000000000e+00, v21;
	v11 =	vadd.f32 v20, v25;
	v63 =	vld.idx.msk [tilespmem:v31+s4+$0x0], $0xffff  }
0x15f: {  	v15 =	vmul.f32 v22, v15;
	v20 =	vsub.f32 $1.000000000e+00, v23;
	v8 =	vsel vm10, $0x0, v8;
	v18 =	vld.idx.msk [tilespmem:v32+s4+$0x0], $0xffff  }
0x160: {  	vm11 =	veq.s32 v5, v9;
	v8 =	vadd.f32 v8, v11;
	v21 =	vld.idx.msk [tilespmem:v33+s4+$0x0], $0xffff  }
0x161: {  	v9 =	vsel vm11, $0x0, v15;
	v11 =	vmul.f32 v20, v19;
	v5 =	vld.idx.msk [tilespmem:v34+s4+$0x0], $0xffff  }
0x162: {  	vm12 =	veq.s32 v1, v3;
	v8 =	vadd.f32 v9, v8;
	v15 =	vld.idx.msk [tilespmem:v16+s4+$0x0], $0xffff  }
0x163: {  	v9 =	vsel vm12, $0x0, v11;
	v11 =	vld.idx.msk [tilespmem:v12+s4+$0x0], $0xffff;
	v1 =	vsub.f32 $1.000000000e+00, v62;
	v3 =	vsub.f32 $1.000000000e+00, v13  }
0x164: {  	v13 =	vld.idx.msk [tilespmem:v17+s4+$0x0], $0xffff  }
0x165: {  	v22 =	vld.idx.msk [tilespmem:v14+s4+$0x0], $0xffff;
	v19 =	vsub.f32 $1.000000000e+00, v63;
	v18 =	vsub.f32 $1.000000000e+00, v18;
	v3 =	vmul.f32 v3, v1  }
0x166: {  	v8 =	vadd.f32 v9, v8;
	vm13 =	veq.s32 v29, v30;
	v9 =	vsub.f32 $1.000000000e+00, v21;
	v1 =	vld.idx.msk [tilespmem:v6+s4+$0x0], $0xffff  }
0x167: {  	v18 =	vmul.f32 v18, v19;
	v19 =	vsub.f32 $1.000000000e+00, v5;
	v5 =	vld.idx.msk [tilespmem:v4+s4+$0x0], $0xffff;
	v20 =	vsel vm13, $0x0, v3  }
0x168: {  	vm14 =	veq.s32 v31, v32;
	v21 =	vsub.f32 $1.000000000e+00, v15;
	v3 =	vld.idx.msk [tilespmem:v10+s4+$0x0], $0xffff;
	v20 =	vadd.f32 v20, v8  }
0x169: {  	v15 =	vsel vm14, $0x0, v18;
	v18 =	vmul.f32 v19, v9;
	v9 =	vld.idx.msk [tilespmem:v0+s4+$0x0], $0xffff;
	v19 =	vsub.f32 $1.000000000e+00, v13  }
0x16a: {  	vm15 =	veq.s32 v33, v34;
	v8 =	vld.idx.msk [tilespmem:v7+s4+$0x0], $0xffff;
	v13 =	vsub.f32 $1.000000000e+00, v11;
	v15 =	vadd.f32 v15, v20  }
0x16b: {  	s30 =	simm.s32 $0x0;
	s6 =	simm.s32 $0x1CA80;
	v11 =	vld.idx.msk [tilespmem:v2+s4+$0x0], $0xffff;
	v20 =	vsel vm15, $0x0, v18;
	v18 =	vmul.f32 v19, v21;
	v19 =	vsub.f32 $1.000000000e+00, v22  }
.LBB2_15:
0x16c: {  	v21 =	vld [tilespmem:s6+$0xFFFFFFF0];
	v15 =	vadd.f32 v20, v15;
	vm0 =	veq.s32 v16, v17;
	v1 =	vsub.f32 $1.000000000e+00, v1  }
0x16d: {  	v3 =	vsub.f32 $1.000000000e+00, v3;
	v16 =	vld [tilespmem:s6+$0x70];
	v17 =	vsel vm0, $0x0, v18;
	v13 =	vmul.f32 v19, v13  }
0x16e: {  	vm0 =	veq.s32 v12, v14;
	v5 =	vsub.f32 $1.000000000e+00, v5;
	v18 =	vld [tilespmem:s6+$0xFFFFFFE0];
	v15 =	vadd.f32 v17, v15  }
0x16f: {  	v1 =	vmul.f32 v3, v1;
	v3 =	vsub.f32 $1.000000000e+00, v8;
	v17 =	vld [tilespmem:s6+$0x60];
	v12 =	vsel vm0, $0x0, v13  }
0x170: {  	vm0 =	veq.s32 v6, v10;
	v9 =	vsub.f32 $1.000000000e+00, v9;
	v8 =	vadd.f32 v12, v15;
	v6 =	vld [tilespmem:s6+$0xFFFFFFD0]  }
0x171: {  	v1 =	vsel vm0, $0x0, v1;
	v3 =	vmul.f32 v3, v5;
	v5 =	vsub.f32 $1.000000000e+00, v11;
	v10 =	vld [tilespmem:s6+$0x50]  }
0x172: {  	vm0 =	veq.s32 v4, v7;
	v12 =	vld [tilespmem:s6+$0xFFFFFFC0];
	v1 =	vadd.f32 v1, v8  }
0x173: {  	v3 =	vsel vm0, $0x0, v3;
	v5 =	vmul.f32 v5, v9;
	v14 =	vld [tilespmem:s6+$0x40];
	v4 =	vmov v18  }
0x174: {  	vm0 =	veq.s32 v0, v2;
	v0 =	vmovc v21;
	v2 =	vmovc v16;
	v8 =	vld [tilespmem:s6+$0xFFFFFF80];
	v1 =	vadd.f32 v3, v1;
	v7 =	vmov v17  }
0x175: {  	s30 =	sadd.s32 $0x80, s30;
	v5 =	vsel vm0, $0x0, v5;
	v3 =	vld [tilespmem:s6+$0x0]  }
0x176: {  	p1 =	slt.u32 s30, $0xA80;
	v9 =	vld [tilespmem:s6+$0xFFFFFF90];
	v5 =	vadd.f32 v5, v1  }
0x177: {  	v11 =	vld [tilespmem:s6+$0x10]  }
0x178: {  	v13 =	vld [tilespmem:s6+$0xFFFFFFA0]  }
0x179: {  	v18 =	vld [tilespmem:s6+$0x20]  }
0x17a: {  	v16 =	vld [tilespmem:s6+$0xFFFFFFB0]  }
0x17b: {  	v17 =	vld [tilespmem:s6+$0x30]  }
0x17c: {  	v1 =	vld.idx.msk [tilespmem:v8+s4+$0x0], $0xffff  }
0x17d: {  	v15 =	vld.idx.msk [tilespmem:v3+s4+$0x0], $0xffff  }
0x17e: {  	v19 =	vld.idx.msk [tilespmem:v9+s4+$0x0], $0xffff  }
0x17f: {  	v20 =	vld.idx.msk [tilespmem:v11+s4+$0x0], $0xffff  }
0x180: {  	v21 =	vld.idx.msk [tilespmem:v13+s4+$0x0], $0xffff  }
0x181: {  	v22 =	vld.idx.msk [tilespmem:v18+s4+$0x0], $0xffff  }
0x182: {  	v23 =	vld.idx.msk [tilespmem:v16+s4+$0x0], $0xffff  }
0x183: {  	v1 =	vsub.f32 $1.000000000e+00, v1;
	v15 =	vsub.f32 $1.000000000e+00, v15;
	v24 =	vld.idx.msk [tilespmem:v17+s4+$0x0], $0xffff  }
0x184: {  	v25 =	vld.idx.msk [tilespmem:v12+s4+$0x0], $0xffff  }
0x185: {  	v19 =	vsub.f32 $1.000000000e+00, v19;
	v15 =	vmul.f32 v15, v1;
	v20 =	vsub.f32 $1.000000000e+00, v20;
	v26 =	vld.idx.msk [tilespmem:v14+s4+$0x0], $0xffff  }
0x186: {  	vm0 =	veq.s32 v8, v3;
	v8 =	vsub.f32 $1.000000000e+00, v21;
	v1 =	vld.idx.msk [tilespmem:v6+s4+$0x0], $0xffff  }
.Ltmp7:
0x187: {  	v15 =	vsel vm0, $0x0, v15;
	v19 =	vmul.f32 v20, v19;
	v20 =	vsub.f32 $1.000000000e+00, v22;
	v3 =	vld.idx.msk [tilespmem:v10+s4+$0x0], $0xffff;
	(pc) =	sbr.rel @p1 .LBB2_15-.Ltmp7, $4  }
0x188: {  	vm0 =	veq.s32 v9, v11;
	v15 =	vadd.f32 v15, v5;
	v11 =	vsub.f32 $1.000000000e+00, v23;
	v5 =	vld.idx.msk [tilespmem:v4+s4+$0x0], $0xffff  }
0x189: {  	v9 =	vsel vm0, $0x0, v19;
	v19 =	vmul.f32 v20, v8;
	v21 =	vsub.f32 $1.000000000e+00, v24;
	v8 =	vld.idx.msk [tilespmem:v7+s4+$0x0], $0xffff  }
0x18a: {  	vm0 =	veq.s32 v13, v18;
	v15 =	vadd.f32 v9, v15;
	v13 =	vsub.f32 $1.000000000e+00, v25;
	v9 =	vld.idx.msk [tilespmem:v0+s4+$0x0], $0xffff  }
0x18b: {  	s6 =	sadd.s32 $0x100, s6;
	v20 =	vsel vm0, $0x0, v19;
	v18 =	vmul.f32 v21, v11;
	v19 =	vsub.f32 $1.000000000e+00, v26;
	v11 =	vld.idx.msk [tilespmem:v2+s4+$0x0], $0xffff  }
0x18c: {  	v15 =	vadd.f32 v20, v15;
	vm0 =	veq.s32 v16, v17;
	v1 =	vsub.f32 $1.000000000e+00, v1  }
0x18d: {  	v3 =	vsub.f32 $1.000000000e+00, v3;
	v16 =	vsel vm0, $0x0, v18;
	v13 =	vmul.f32 v19, v13  }
0x18e: {  	vm12 =	veq.s32 v12, v14;
	v5 =	vsub.f32 $1.000000000e+00, v5;
	v15 =	vadd.f32 v16, v15  }
0x18f: {  	v1 =	vmul.f32 v3, v1;
	v3 =	vsub.f32 $1.000000000e+00, v8;
	v12 =	vsel vm12, $0x0, v13  }
0x190: {  	vm13 =	veq.s32 v6, v10;
	s1 =	sadd.s32 $0x1, s1;
	v61 =	vsub.f32 $1.000000000e+00, v9;
	v60 =	vadd.f32 v12, v15  }
0x191: {  	p1 =	sne.s32 s1, $0x11;
	v1 =	vsel vm13, $0x0, v1;
	v3 =	vmul.f32 v3, v5;
	v62 =	vsub.f32 $1.000000000e+00, v11  }
.Ltmp8:
0x192: {  	vm14 =	veq.s32 v4, v7;
	v1 =	vadd.f32 v1, v60;
	(pc) =	sbr.rel @p1 .LBB2_8-.Ltmp8, $4  }
0x193: {  	s6 =	sadd.s32 s10, s13;
	v3 =	vsel vm14, $0x0, v3;
	v63 =	vmul.f32 v62, v61  }
0x194: {  	vm15 =	veq.s32 v0, v2;
	s6 =	sshll.u32 s6, $0x5;
	v1 =	vadd.f32 v3, v1  }
0x195: {  	s6 =	sadd.s32 s2, s6;
	v0 =	vsel vm15, $0x0, v63  }
0x196: {  	[tilespmem:s24], [sflag:$0x6] =	stream.linear.gather [hbm4b:s6+s4], $0x1600, $0x38;
	v0 =	vadd.f32 v0, v1;
	[tilespmem:$0x1EE00] =	vst v63  }
0x197: {  	_ =	swait.ge [sflag:s31], $0x1600  }
0x198: {  	[sflag:s31] =	ssyncset.done $0x0  }
0x199: {  	s1 =	simm.s32 $0x18780;
	[sflag:s31] =	ssyncadd.s32 $0xFFFFEA00  }
0x19a: {  	v6 =	vld [tilespmem:s1+$0xFFFFFFF0]  }
0x19b: {  	v7 =	vld [tilespmem:s1+$0x70]  }
0x19c: {  	v8 =	vld [tilespmem:s1+$0xFFFFFFE0]  }
0x19d: {  	v10 =	vld [tilespmem:s1+$0x60]  }
0x19e: {  	v9 =	vld [tilespmem:s1+$0xFFFFFFD0]  }
0x19f: {  	v12 =	vld [tilespmem:s1+$0x50]  }
0x1a0: {  	v14 =	vld [tilespmem:s1+$0xFFFFFFC0]  }
0x1a1: {  	v15 =	vld [tilespmem:s1+$0x40]  }
0x1a2: {  	v1 =	vld [tilespmem:s1+$0xFFFFFF80]  }
0x1a3: {  	v2 =	vld [tilespmem:s1+$0x0]  }
0x1a4: {  	v3 =	vld [tilespmem:s1+$0xFFFFFF90]  }
0x1a5: {  	v4 =	vld [tilespmem:s1+$0x10]  }
0x1a6: {  	v5 =	vld [tilespmem:s1+$0xFFFFFFA0]  }
0x1a7: {  	v11 =	vld [tilespmem:s1+$0x20]  }
0x1a8: {  	v16 =	vld [tilespmem:s1+$0xFFFFFFB0]  }
0x1a9: {  	v17 =	vld [tilespmem:s1+$0x30]  }
0x1aa: {  	v13 =	vld.idx.msk [tilespmem:v1+s4+$0x0], $0xffff  }
0x1ab: {  	v18 =	vld.idx.msk [tilespmem:v2+s4+$0x0], $0xffff  }
0x1ac: {  	v19 =	vld.idx.msk [tilespmem:v3+s4+$0x0], $0xffff  }
0x1ad: {  	v20 =	vld.idx.msk [tilespmem:v4+s4+$0x0], $0xffff  }
0x1ae: {  	v21 =	vld.idx.msk [tilespmem:v5+s4+$0x0], $0xffff  }
0x1af: {  	v22 =	vld.idx.msk [tilespmem:v11+s4+$0x0], $0xffff  }
0x1b0: {  	v23 =	vld.idx.msk [tilespmem:v16+s4+$0x0], $0xffff  }
0x1b1: {  	v24 =	vld.idx.msk [tilespmem:v17+s4+$0x0], $0xffff;
	v13 =	vsub.f32 $1.000000000e+00, v13;
	v18 =	vsub.f32 $1.000000000e+00, v18  }
0x1b2: {  	v26 =	vld.idx.msk [tilespmem:v14+s4+$0x0], $0xffff  }
0x1b3: {  	v29 =	vld.idx.msk [tilespmem:v15+s4+$0x0], $0xffff;
	v19 =	vsub.f32 $1.000000000e+00, v19;
	v20 =	vsub.f32 $1.000000000e+00, v20;
	v13 =	vmul.f32 v18, v13  }
0x1b4: {  	vm0 =	veq.s32 v1, v2;
	v62 =	vsub.f32 $1.000000000e+00, v21;
	v21 =	vsub.f32 $1.000000000e+00, v22;
	v22 =	vld.idx.msk [tilespmem:v10+s4+$0x0], $0xffff  }
0x1b5: {  	v18 =	vld.idx.msk [tilespmem:v9+s4+$0x0], $0xffff;
	v2 =	vsel vm0, $0x0, v13;
	v13 =	vmul.f32 v20, v19  }
0x1b6: {  	vm14 =	veq.s32 v3, v4;
	v63 =	vsub.f32 $1.000000000e+00, v23;
	v19 =	vld.idx.msk [tilespmem:v12+s4+$0x0], $0xffff;
	v0 =	vadd.f32 v2, v0  }
0x1b7: {  	v4 =	vsub.f32 $1.000000000e+00, v24;
	v1 =	vmul.f32 v21, v62;
	v20 =	vld.idx.msk [tilespmem:v8+s4+$0x0], $0xffff;
	v3 =	vsel vm14, $0x0, v13  }
0x1b8: {  	vm15 =	veq.s32 v5, v11;
	v24 =	vsub.f32 $1.000000000e+00, v26;
	v23 =	vld.idx.msk [tilespmem:v7+s4+$0x0], $0xffff;
	v25 =	vadd.f32 v3, v0  }
0x1b9: {  	s6 =	simm.s32 $0x18880;
	s1 =	simm.s32 $0x0;
	v26 =	vsub.f32 $1.000000000e+00, v29;
	v21 =	vld.idx.msk [tilespmem:v6+s4+$0x0], $0xffff;
	v27 =	vmul.f32 v4, v63;
	v28 =	vsel vm15, $0x0, v1  }
.LBB2_18:
0x1ba: {  	v0 =	vld [tilespmem:s6+$0xFFFFFFF0];
	v1 =	vadd.f32 v28, v25;
	vm0 =	veq.s32 v16, v17;
	v2 =	vsub.f32 $1.000000000e+00, v18  }
0x1bb: {  	v11 =	vsub.f32 $1.000000000e+00, v19;
	v3 =	vld [tilespmem:s6+$0x70];
	v4 =	vsel vm0, $0x0, v27;
	v5 =	vmul.f32 v26, v24  }
0x1bc: {  	vm0 =	veq.s32 v14, v15;
	v13 =	vld [tilespmem:s6+$0xFFFFFFE0];
	v1 =	vadd.f32 v4, v1;
	v4 =	vsub.f32 $1.000000000e+00, v20  }
0x1bd: {  	v2 =	vmul.f32 v11, v2;
	v11 =	vsub.f32 $1.000000000e+00, v22;
	v16 =	vld [tilespmem:s6+$0x60];
	v5 =	vsel vm0, $0x0, v5  }
0x1be: {  	vm0 =	veq.s32 v9, v12;
	v1 =	vadd.f32 v5, v1;
	v9 =	vld [tilespmem:s6+$0xFFFFFFD0];
	v5 =	vsub.f32 $1.000000000e+00, v21  }
0x1bf: {  	v2 =	vsel vm0, $0x0, v2;
	v4 =	vmul.f32 v11, v4;
	v11 =	vsub.f32 $1.000000000e+00, v23;
	v12 =	vld [tilespmem:s6+$0x50]  }
0x1c0: {  	vm0 =	veq.s32 v8, v10;
	v14 =	vld [tilespmem:s6+$0xFFFFFFC0];
	v1 =	vadd.f32 v2, v1  }
0x1c1: {  	v2 =	vsel vm0, $0x0, v4;
	v4 =	vmul.f32 v11, v5;
	v15 =	vld [tilespmem:s6+$0x40];
	v8 =	vmov v13  }
0x1c2: {  	vm0 =	veq.s32 v6, v7;
	v6 =	vmovc v0;
	v7 =	vmovc v3;
	v5 =	vld [tilespmem:s6+$0xFFFFFF80];
	v1 =	vadd.f32 v2, v1;
	v10 =	vmov v16  }
0x1c3: {  	s1 =	sadd.s32 $0x80, s1;
	v2 =	vsel vm0, $0x0, v4;
	v0 =	vld [tilespmem:s6+$0x0]  }
0x1c4: {  	p1 =	slt.u32 s1, $0xA80;
	v3 =	vld [tilespmem:s6+$0xFFFFFF90];
	v1 =	vadd.f32 v2, v1  }
0x1c5: {  	v2 =	vld [tilespmem:s6+$0x10]  }
0x1c6: {  	v4 =	vld [tilespmem:s6+$0xFFFFFFA0]  }
0x1c7: {  	v11 =	vld [tilespmem:s6+$0x20]  }
0x1c8: {  	v16 =	vld [tilespmem:s6+$0xFFFFFFB0]  }
0x1c9: {  	v17 =	vld [tilespmem:s6+$0x30]  }
0x1ca: {  	v13 =	vld.idx.msk [tilespmem:v5+s4+$0x0], $0xffff  }
0x1cb: {  	v18 =	vld.idx.msk [tilespmem:v0+s4+$0x0], $0xffff  }
0x1cc: {  	v19 =	vld.idx.msk [tilespmem:v3+s4+$0x0], $0xffff  }
0x1cd: {  	v20 =	vld.idx.msk [tilespmem:v2+s4+$0x0], $0xffff  }
0x1ce: {  	v21 =	vld.idx.msk [tilespmem:v4+s4+$0x0], $0xffff  }
0x1cf: {  	v22 =	vld.idx.msk [tilespmem:v11+s4+$0x0], $0xffff  }
0x1d0: {  	v23 =	vld.idx.msk [tilespmem:v16+s4+$0x0], $0xffff  }
0x1d1: {  	v13 =	vsub.f32 $1.000000000e+00, v13;
	v18 =	vsub.f32 $1.000000000e+00, v18;
	v24 =	vld.idx.msk [tilespmem:v17+s4+$0x0], $0xffff  }
0x1d2: {  	v26 =	vld.idx.msk [tilespmem:v14+s4+$0x0], $0xffff  }
0x1d3: {  	v19 =	vsub.f32 $1.000000000e+00, v19;
	v13 =	vmul.f32 v18, v13;
	v20 =	vsub.f32 $1.000000000e+00, v20;
	v29 =	vld.idx.msk [tilespmem:v15+s4+$0x0], $0xffff  }
0x1d4: {  	vm0 =	veq.s32 v5, v0;
	v0 =	vsub.f32 $1.000000000e+00, v21;
	v18 =	vld.idx.msk [tilespmem:v9+s4+$0x0], $0xffff  }
.Ltmp9:
0x1d5: {  	v5 =	vsel vm0, $0x0, v13;
	v13 =	vmul.f32 v20, v19;
	v21 =	vsub.f32 $1.000000000e+00, v22;
	v19 =	vld.idx.msk [tilespmem:v12+s4+$0x0], $0xffff;
	(pc) =	sbr.rel @p1 .LBB2_18-.Ltmp9, $4  }
0x1d6: {  	vm0 =	veq.s32 v3, v2;
	v1 =	vadd.f32 v5, v1;
	v2 =	vsub.f32 $1.000000000e+00, v23;
	v20 =	vld.idx.msk [tilespmem:v8+s4+$0x0], $0xffff  }
0x1d7: {  	v3 =	vsel vm0, $0x0, v13;
	v0 =	vmul.f32 v21, v0;
	v5 =	vsub.f32 $1.000000000e+00, v24;
	v22 =	vld.idx.msk [tilespmem:v10+s4+$0x0], $0xffff  }
0x1d8: {  	vm0 =	veq.s32 v4, v11;
	v25 =	vadd.f32 v3, v1;
	v24 =	vsub.f32 $1.000000000e+00, v26;
	v21 =	vld.idx.msk [tilespmem:v6+s4+$0x0], $0xffff  }
0x1d9: {  	s6 =	sadd.s32 $0x100, s6;
	v28 =	vsel vm0, $0x0, v0;
	v27 =	vmul.f32 v5, v2;
	v26 =	vsub.f32 $1.000000000e+00, v29;
	v23 =	vld.idx.msk [tilespmem:v7+s4+$0x0], $0xffff  }
0x1da: {  	_ =	swait.ge [sflag:s3], $0x1600  }
0x1db: {  	[sflag:s3] =	ssyncset.done $0x0  }
0x1dc: {  	s1 =	simm.s32 $0x19D80;
	[sflag:s3] =	ssyncadd.s32 $0xFFFFEA00  }
0x1dd: {  	v0 =	vld [tilespmem:s1+$0xFFFFFFF0]  }
0x1de: {  	v1 =	vld [tilespmem:s1+$0x70]  }
0x1df: {  	v2 =	vld [tilespmem:s1+$0xFFFFFFE0]  }
0x1e0: {  	v4 =	vld [tilespmem:s1+$0x60]  }
0x1e1: {  	v3 =	vld [tilespmem:s1+$0xFFFFFFD0]  }
0x1e2: {  	v5 =	vld [tilespmem:s1+$0x50]  }
0x1e3: {  	v11 =	vld [tilespmem:s1+$0xFFFFFFC0]  }
0x1e4: {  	v13 =	vld [tilespmem:s1+$0x40]  }
0x1e5: {  	v29 =	vld [tilespmem:s1+$0xFFFFFF80]  }
0x1e6: {  	v30 =	vld [tilespmem:s1+$0x0]  }
0x1e7: {  	v31 =	vld [tilespmem:s1+$0xFFFFFF90]  }
0x1e8: {  	v32 =	vld [tilespmem:s1+$0x10]  }
0x1e9: {  	v33 =	vld [tilespmem:s1+$0xFFFFFFA0]  }
0x1ea: {  	v25 =	vadd.f32 v28, v25;
	v34 =	vld [tilespmem:s1+$0x20]  }
0x1eb: {  	vm0 =	veq.s32 v16, v17;
	v18 =	vsub.f32 $1.000000000e+00, v18;
	v19 =	vsub.f32 $1.000000000e+00, v19;
	v16 =	vld [tilespmem:s1+$0xFFFFFFB0]  }
0x1ec: {  	vm9 =	veq.s32 v14, v15;
	v27 =	vsel vm0, $0x0, v27;
	v24 =	vmul.f32 v26, v24;
	v17 =	vld [tilespmem:s1+$0x30]  }
0x1ed: {  	vm10 =	veq.s32 v9, v12;
	v15 =	vsub.f32 $1.000000000e+00, v20;
	v25 =	vadd.f32 v27, v25;
	v26 =	vld.idx.msk [tilespmem:v29+s4+$0x0], $0xffff  }
0x1ee: {  	v22 =	vsub.f32 $1.000000000e+00, v22;
	v9 =	vmul.f32 v19, v18;
	v20 =	vsel vm9, $0x0, v24;
	v14 =	vld.idx.msk [tilespmem:v30+s4+$0x0], $0xffff  }
0x1ef: {  	v19 =	vsub.f32 $1.000000000e+00, v21;
	v12 =	vadd.f32 v20, v25;
	v24 =	vld.idx.msk [tilespmem:v31+s4+$0x0], $0xffff  }
0x1f0: {  	v15 =	vmul.f32 v22, v15;
	v20 =	vsub.f32 $1.000000000e+00, v23;
	v9 =	vsel vm10, $0x0, v9;
	v18 =	vld.idx.msk [tilespmem:v32+s4+$0x0], $0xffff  }
0x1f1: {  	vm11 =	veq.s32 v8, v10;
	v9 =	vadd.f32 v9, v12;
	v21 =	vld.idx.msk [tilespmem:v33+s4+$0x0], $0xffff  }
0x1f2: {  	v10 =	vsel vm11, $0x0, v15;
	v12 =	vmul.f32 v20, v19;
	v8 =	vld.idx.msk [tilespmem:v34+s4+$0x0], $0xffff  }
0x1f3: {  	vm12 =	veq.s32 v6, v7;
	v9 =	vadd.f32 v10, v9;
	v15 =	vld.idx.msk [tilespmem:v16+s4+$0x0], $0xffff  }
0x1f4: {  	v10 =	vsel vm12, $0x0, v12;
	v12 =	vld.idx.msk [tilespmem:v11+s4+$0x0], $0xffff;
	v6 =	vsub.f32 $1.000000000e+00, v26;
	v7 =	vsub.f32 $1.000000000e+00, v14  }
0x1f5: {  	v9 =	vadd.f32 v10, v9;
	v14 =	vld.idx.msk [tilespmem:v17+s4+$0x0], $0xffff  }
0x1f6: {  	v23 =	vld.idx.msk [tilespmem:v13+s4+$0x0], $0xffff;
	v19 =	vsub.f32 $1.000000000e+00, v18;
	v6 =	vmul.f32 v7, v6;
	v7 =	vsub.f32 $1.000000000e+00, v24  }
0x1f7: {  	vm13 =	veq.s32 v29, v30;
	v20 =	vld.idx.msk [tilespmem:v2+s4+$0x0], $0xffff;
	v10 =	vsub.f32 $1.000000000e+00, v21;
	v8 =	vsub.f32 $1.000000000e+00, v8  }
0x1f8: {  	v18 =	vld.idx.msk [tilespmem:v3+s4+$0x0], $0xffff;
	v6 =	vsel vm13, $0x0, v6;
	v7 =	vmul.f32 v19, v7  }
0x1f9: {  	vm14 =	veq.s32 v31, v32;
	v8 =	vmul.f32 v8, v10;
	v19 =	vld.idx.msk [tilespmem:v5+s4+$0x0], $0xffff;
	v6 =	vadd.f32 v6, v9  }
0x1fa: {  	v22 =	vld.idx.msk [tilespmem:v4+s4+$0x0], $0xffff;
	v9 =	vsub.f32 $1.000000000e+00, v15;
	v10 =	vsub.f32 $1.000000000e+00, v14;
	v7 =	vsel vm14, $0x0, v7  }
0x1fb: {  	vm15 =	veq.s32 v33, v34;
	v21 =	vld.idx.msk [tilespmem:v0+s4+$0x0], $0xffff;
	v26 =	vsub.f32 $1.000000000e+00, v23;
	v25 =	vadd.f32 v7, v6  }
0x1fc: {  	s6 =	simm.s32 $0x19E80;
	s1 =	simm.s32 $0x0;
	v23 =	vld.idx.msk [tilespmem:v1+s4+$0x0], $0xffff;
	v24 =	vsub.f32 $1.000000000e+00, v12;
	v28 =	vsel vm15, $0x0, v8;
	v27 =	vmul.f32 v10, v9  }
.LBB2_20:
0x1fd: {  	v6 =	vld [tilespmem:s6+$0xFFFFFFF0];
	v7 =	vadd.f32 v28, v25;
	vm0 =	veq.s32 v16, v17;
	v8 =	vsub.f32 $1.000000000e+00, v18  }
0x1fe: {  	v14 =	vsub.f32 $1.000000000e+00, v19;
	v9 =	vld [tilespmem:s6+$0x70];
	v10 =	vsel vm0, $0x0, v27;
	v12 =	vmul.f32 v26, v24  }
0x1ff: {  	vm0 =	veq.s32 v11, v13;
	v15 =	vld [tilespmem:s6+$0xFFFFFFE0];
	v7 =	vadd.f32 v10, v7;
	v10 =	vsub.f32 $1.000000000e+00, v20  }
0x200: {  	v8 =	vmul.f32 v14, v8;
	v16 =	vld [tilespmem:s6+$0x60];
	v11 =	vsel vm0, $0x0, v12;
	v12 =	vsub.f32 $1.000000000e+00, v22  }
0x201: {  	vm0 =	veq.s32 v3, v5;
	v14 =	vsub.f32 $1.000000000e+00, v21;
	v7 =	vadd.f32 v11, v7;
	v3 =	vld [tilespmem:s6+$0xFFFFFFD0]  }
0x202: {  	v8 =	vsel vm0, $0x0, v8;
	v5 =	vld [tilespmem:s6+$0x50];
	v10 =	vmul.f32 v12, v10;
	v12 =	vsub.f32 $1.000000000e+00, v23  }
0x203: {  	vm0 =	veq.s32 v2, v4;
	v11 =	vld [tilespmem:s6+$0xFFFFFFC0];
	v7 =	vadd.f32 v8, v7  }
0x204: {  	v13 =	vld [tilespmem:s6+$0x40];
	v17 =	vsel vm0, $0x0, v10;
	v8 =	vmul.f32 v12, v14;
	v2 =	vmov v15  }
0x205: {  	vm0 =	veq.s32 v0, v1;
	v0 =	vmovc v6;
	v1 =	vmovc v9;
	v10 =	vld [tilespmem:s6+$0xFFFFFF80];
	v7 =	vadd.f32 v17, v7;
	v4 =	vmov v16  }
0x206: {  	s1 =	sadd.s32 $0x80, s1;
	v6 =	vld [tilespmem:s6+$0x0];
	v8 =	vsel vm0, $0x0, v8  }
0x207: {  	p1 =	slt.u32 s1, $0xA80;
	v9 =	vld [tilespmem:s6+$0xFFFFFF90];
	v7 =	vadd.f32 v8, v7  }
0x208: {  	v8 =	vld [tilespmem:s6+$0x10]  }
0x209: {  	v12 =	vld [tilespmem:s6+$0xFFFFFFA0]  }
0x20a: {  	v14 =	vld [tilespmem:s6+$0x20]  }
0x20b: {  	v16 =	vld [tilespmem:s6+$0xFFFFFFB0]  }
0x20c: {  	v17 =	vld [tilespmem:s6+$0x30]  }
0x20d: {  	v15 =	vld.idx.msk [tilespmem:v10+s4+$0x0], $0xffff  }
0x20e: {  	v18 =	vld.idx.msk [tilespmem:v6+s4+$0x0], $0xffff  }
0x20f: {  	v19 =	vld.idx.msk [tilespmem:v9+s4+$0x0], $0xffff  }
0x210: {  	v20 =	vld.idx.msk [tilespmem:v8+s4+$0x0], $0xffff  }
0x211: {  	v21 =	vld.idx.msk [tilespmem:v12+s4+$0x0], $0xffff  }
0x212: {  	v22 =	vld.idx.msk [tilespmem:v14+s4+$0x0], $0xffff  }
0x213: {  	v23 =	vld.idx.msk [tilespmem:v16+s4+$0x0], $0xffff  }
0x214: {  	v15 =	vsub.f32 $1.000000000e+00, v15;
	v18 =	vsub.f32 $1.000000000e+00, v18;
	v24 =	vld.idx.msk [tilespmem:v17+s4+$0x0], $0xffff  }
0x215: {  	v26 =	vld.idx.msk [tilespmem:v11+s4+$0x0], $0xffff  }
0x216: {  	v19 =	vsub.f32 $1.000000000e+00, v19;
	v15 =	vmul.f32 v18, v15;
	v20 =	vsub.f32 $1.000000000e+00, v20;
	v29 =	vld.idx.msk [tilespmem:v13+s4+$0x0], $0xffff  }
0x217: {  	vm0 =	veq.s32 v10, v6;
	v6 =	vsub.f32 $1.000000000e+00, v21;
	v18 =	vld.idx.msk [tilespmem:v3+s4+$0x0], $0xffff  }
.Ltmp10:
0x218: {  	v10 =	vsel vm0, $0x0, v15;
	v15 =	vmul.f32 v20, v19;
	v21 =	vsub.f32 $1.000000000e+00, v22;
	v19 =	vld.idx.msk [tilespmem:v5+s4+$0x0], $0xffff;
	(pc) =	sbr.rel @p1 .LBB2_20-.Ltmp10, $4  }
0x219: {  	vm0 =	veq.s32 v9, v8;
	v7 =	vadd.f32 v10, v7;
	v8 =	vsub.f32 $1.000000000e+00, v23;
	v20 =	vld.idx.msk [tilespmem:v2+s4+$0x0], $0xffff  }
0x21a: {  	v9 =	vsel vm0, $0x0, v15;
	v6 =	vmul.f32 v21, v6;
	v10 =	vsub.f32 $1.000000000e+00, v24;
	v22 =	vld.idx.msk [tilespmem:v4+s4+$0x0], $0xffff  }
0x21b: {  	vm0 =	veq.s32 v12, v14;
	v25 =	vadd.f32 v9, v7;
	v24 =	vsub.f32 $1.000000000e+00, v26;
	v21 =	vld.idx.msk [tilespmem:v0+s4+$0x0], $0xffff  }
0x21c: {  	s6 =	sadd.s32 $0x100, s6;
	v28 =	vsel vm0, $0x0, v6;
	v27 =	vmul.f32 v10, v8;
	v26 =	vsub.f32 $1.000000000e+00, v29;
	v23 =	vld.idx.msk [tilespmem:v1+s4+$0x0], $0xffff  }
0x21d: {  	_ =	swait.ge [sflag:s0], $0x1600  }
0x21e: {  	[sflag:s0] =	ssyncset.done $0x0  }
0x21f: {  	s1 =	simm.s32 $0x1B380;
	[sflag:s0] =	ssyncadd.s32 $0xFFFFEA00  }
0x220: {  	v6 =	vld [tilespmem:s1+$0xFFFFFFF0]  }
0x221: {  	v7 =	vld [tilespmem:s1+$0x70]  }
0x222: {  	v8 =	vld [tilespmem:s1+$0xFFFFFFE0]  }
0x223: {  	v10 =	vld [tilespmem:s1+$0x60]  }
0x224: {  	v9 =	vld [tilespmem:s1+$0xFFFFFFD0]  }
0x225: {  	v12 =	vld [tilespmem:s1+$0x50]  }
0x226: {  	v14 =	vld [tilespmem:s1+$0xFFFFFFC0]  }
0x227: {  	v15 =	vld [tilespmem:s1+$0x40]  }
0x228: {  	v29 =	vld [tilespmem:s1+$0xFFFFFF80]  }
0x229: {  	v30 =	vld [tilespmem:s1+$0x0]  }
0x22a: {  	v31 =	vld [tilespmem:s1+$0xFFFFFF90]  }
0x22b: {  	v32 =	vld [tilespmem:s1+$0x10]  }
0x22c: {  	v33 =	vld [tilespmem:s1+$0xFFFFFFA0]  }
0x22d: {  	v25 =	vadd.f32 v28, v25;
	v34 =	vld [tilespmem:s1+$0x20]  }
0x22e: {  	vm0 =	veq.s32 v16, v17;
	v18 =	vsub.f32 $1.000000000e+00, v18;
	v19 =	vsub.f32 $1.000000000e+00, v19;
	v16 =	vld [tilespmem:s1+$0xFFFFFFB0]  }
0x22f: {  	vm9 =	veq.s32 v11, v13;
	v27 =	vsel vm0, $0x0, v27;
	v24 =	vmul.f32 v26, v24;
	v17 =	vld [tilespmem:s1+$0x30]  }
0x230: {  	vm10 =	veq.s32 v3, v5;
	v13 =	vsub.f32 $1.000000000e+00, v20;
	v25 =	vadd.f32 v27, v25;
	v62 =	vld.idx.msk [tilespmem:v29+s4+$0x0], $0xffff  }
0x231: {  	v22 =	vsub.f32 $1.000000000e+00, v22;
	v3 =	vmul.f32 v19, v18;
	v20 =	vsel vm9, $0x0, v24;
	v11 =	vld.idx.msk [tilespmem:v30+s4+$0x0], $0xffff  }
0x232: {  	v19 =	vsub.f32 $1.000000000e+00, v21;
	v5 =	vadd.f32 v20, v25;
	v63 =	vld.idx.msk [tilespmem:v31+s4+$0x0], $0xffff  }
0x233: {  	v13 =	vmul.f32 v22, v13;
	v20 =	vsub.f32 $1.000000000e+00, v23;
	v3 =	vsel vm10, $0x0, v3;
	v18 =	vld.idx.msk [tilespmem:v32+s4+$0x0], $0xffff  }
0x234: {  	vm11 =	veq.s32 v2, v4;
	v3 =	vadd.f32 v3, v5;
	v21 =	vld.idx.msk [tilespmem:v33+s4+$0x0], $0xffff  }
0x235: {  	v4 =	vsel vm11, $0x0, v13;
	v5 =	vmul.f32 v20, v19;
	v2 =	vld.idx.msk [tilespmem:v34+s4+$0x0], $0xffff  }
0x236: {  	vm12 =	veq.s32 v0, v1;
	v3 =	vadd.f32 v4, v3;
	v13 =	vld.idx.msk [tilespmem:v16+s4+$0x0], $0xffff  }
0x237: {  	v4 =	vsel vm12, $0x0, v5;
	v5 =	vld.idx.msk [tilespmem:v14+s4+$0x0], $0xffff;
	v0 =	vsub.f32 $1.000000000e+00, v62;
	v1 =	vsub.f32 $1.000000000e+00, v11  }
0x238: {  	v11 =	vld.idx.msk [tilespmem:v17+s4+$0x0], $0xffff  }
0x239: {  	v22 =	vld.idx.msk [tilespmem:v15+s4+$0x0], $0xffff;
	v19 =	vsub.f32 $1.000000000e+00, v63;
	v18 =	vsub.f32 $1.000000000e+00, v18;
	v1 =	vmul.f32 v1, v0  }
0x23a: {  	vm13 =	veq.s32 v29, v30;
	v3 =	vadd.f32 v4, v3;
	v4 =	vsub.f32 $1.000000000e+00, v21;
	v0 =	vld.idx.msk [tilespmem:v9+s4+$0x0], $0xffff  }
0x23b: {  	v18 =	vmul.f32 v18, v19;
	v19 =	vsub.f32 $1.000000000e+00, v2;
	v2 =	vld.idx.msk [tilespmem:v8+s4+$0x0], $0xffff;
	v20 =	vsel vm13, $0x0, v1  }
0x23c: {  	vm14 =	veq.s32 v31, v32;
	v21 =	vsub.f32 $1.000000000e+00, v13;
	v1 =	vld.idx.msk [tilespmem:v12+s4+$0x0], $0xffff;
	v20 =	vadd.f32 v20, v3  }
0x23d: {  	v13 =	vsel vm14, $0x0, v18;
	v18 =	vmul.f32 v19, v4;
	v4 =	vld.idx.msk [tilespmem:v6+s4+$0x0], $0xffff;
	v19 =	vsub.f32 $1.000000000e+00, v11  }
0x23e: {  	vm15 =	veq.s32 v33, v34;
	v3 =	vld.idx.msk [tilespmem:v10+s4+$0x0], $0xffff;
	v11 =	vsub.f32 $1.000000000e+00, v5;
	v13 =	vadd.f32 v13, v20  }
0x23f: {  	s6 =	simm.s32 $0x1B480;
	s1 =	simm.s32 $0x0;
	v5 =	vld.idx.msk [tilespmem:v7+s4+$0x0], $0xffff;
	v20 =	vsel vm15, $0x0, v18;
	v18 =	vmul.f32 v19, v21;
	v19 =	vsub.f32 $1.000000000e+00, v22  }
.LBB2_22:
0x240: {  	v21 =	vld [tilespmem:s6+$0xFFFFFFF0];
	v13 =	vadd.f32 v20, v13;
	vm0 =	veq.s32 v16, v17;
	v0 =	vsub.f32 $1.000000000e+00, v0  }
0x241: {  	v1 =	vsub.f32 $1.000000000e+00, v1;
	v16 =	vld [tilespmem:s6+$0x70];
	v17 =	vsel vm0, $0x0, v18;
	v11 =	vmul.f32 v19, v11  }
0x242: {  	vm0 =	veq.s32 v14, v15;
	v2 =	vsub.f32 $1.000000000e+00, v2;
	v18 =	vld [tilespmem:s6+$0xFFFFFFE0];
	v13 =	vadd.f32 v17, v13  }
0x243: {  	v0 =	vmul.f32 v1, v0;
	v1 =	vsub.f32 $1.000000000e+00, v3;
	v17 =	vld [tilespmem:s6+$0x60];
	v11 =	vsel vm0, $0x0, v11  }
0x244: {  	vm0 =	veq.s32 v9, v12;
	v4 =	vsub.f32 $1.000000000e+00, v4;
	v3 =	vadd.f32 v11, v13;
	v9 =	vld [tilespmem:s6+$0xFFFFFFD0]  }
0x245: {  	v0 =	vsel vm0, $0x0, v0;
	v1 =	vmul.f32 v1, v2;
	v2 =	vsub.f32 $1.000000000e+00, v5;
	v12 =	vld [tilespmem:s6+$0x50]  }
0x246: {  	vm0 =	veq.s32 v8, v10;
	v14 =	vld [tilespmem:s6+$0xFFFFFFC0];
	v0 =	vadd.f32 v0, v3  }
0x247: {  	v1 =	vsel vm0, $0x0, v1;
	v2 =	vmul.f32 v2, v4;
	v15 =	vld [tilespmem:s6+$0x40];
	v8 =	vmov v18  }
0x248: {  	vm0 =	veq.s32 v6, v7;
	v6 =	vmovc v21;
	v7 =	vmovc v16;
	v3 =	vld [tilespmem:s6+$0xFFFFFF80];
	v0 =	vadd.f32 v1, v0;
	v10 =	vmov v17  }
0x249: {  	s1 =	sadd.s32 $0x80, s1;
	v2 =	vsel vm0, $0x0, v2;
	v1 =	vld [tilespmem:s6+$0x0]  }
0x24a: {  	p1 =	slt.u32 s1, $0xA80;
	v4 =	vld [tilespmem:s6+$0xFFFFFF90];
	v2 =	vadd.f32 v2, v0  }
0x24b: {  	v5 =	vld [tilespmem:s6+$0x10]  }
0x24c: {  	v11 =	vld [tilespmem:s6+$0xFFFFFFA0]  }
0x24d: {  	v18 =	vld [tilespmem:s6+$0x20]  }
0x24e: {  	v16 =	vld [tilespmem:s6+$0xFFFFFFB0]  }
0x24f: {  	v17 =	vld [tilespmem:s6+$0x30]  }
0x250: {  	v0 =	vld.idx.msk [tilespmem:v3+s4+$0x0], $0xffff  }
0x251: {  	v13 =	vld.idx.msk [tilespmem:v1+s4+$0x0], $0xffff  }
0x252: {  	v19 =	vld.idx.msk [tilespmem:v4+s4+$0x0], $0xffff  }
0x253: {  	v20 =	vld.idx.msk [tilespmem:v5+s4+$0x0], $0xffff  }
0x254: {  	v21 =	vld.idx.msk [tilespmem:v11+s4+$0x0], $0xffff  }
0x255: {  	v22 =	vld.idx.msk [tilespmem:v18+s4+$0x0], $0xffff  }
0x256: {  	v23 =	vld.idx.msk [tilespmem:v16+s4+$0x0], $0xffff  }
0x257: {  	v0 =	vsub.f32 $1.000000000e+00, v0;
	v13 =	vsub.f32 $1.000000000e+00, v13;
	v24 =	vld.idx.msk [tilespmem:v17+s4+$0x0], $0xffff  }
0x258: {  	v25 =	vld.idx.msk [tilespmem:v14+s4+$0x0], $0xffff  }
0x259: {  	v19 =	vsub.f32 $1.000000000e+00, v19;
	v13 =	vmul.f32 v13, v0;
	v20 =	vsub.f32 $1.000000000e+00, v20;
	v26 =	vld.idx.msk [tilespmem:v15+s4+$0x0], $0xffff  }
0x25a: {  	vm0 =	veq.s32 v3, v1;
	v3 =	vsub.f32 $1.000000000e+00, v21;
	v0 =	vld.idx.msk [tilespmem:v9+s4+$0x0], $0xffff  }
.Ltmp11:
0x25b: {  	v13 =	vsel vm0, $0x0, v13;
	v19 =	vmul.f32 v20, v19;
	v20 =	vsub.f32 $1.000000000e+00, v22;
	v1 =	vld.idx.msk [tilespmem:v12+s4+$0x0], $0xffff;
	(pc) =	sbr.rel @p1 .LBB2_22-.Ltmp11, $4  }
0x25c: {  	vm0 =	veq.s32 v4, v5;
	v13 =	vadd.f32 v13, v2;
	v5 =	vsub.f32 $1.000000000e+00, v23;
	v2 =	vld.idx.msk [tilespmem:v8+s4+$0x0], $0xffff  }
0x25d: {  	v4 =	vsel vm0, $0x0, v19;
	v19 =	vmul.f32 v20, v3;
	v21 =	vsub.f32 $1.000000000e+00, v24;
	v3 =	vld.idx.msk [tilespmem:v10+s4+$0x0], $0xffff  }
0x25e: {  	vm0 =	veq.s32 v11, v18;
	v13 =	vadd.f32 v4, v13;
	v11 =	vsub.f32 $1.000000000e+00, v25;
	v4 =	vld.idx.msk [tilespmem:v6+s4+$0x0], $0xffff  }
0x25f: {  	s6 =	sadd.s32 $0x100, s6;
	v20 =	vsel vm0, $0x0, v19;
	v18 =	vmul.f32 v21, v5;
	v19 =	vsub.f32 $1.000000000e+00, v26;
	v5 =	vld.idx.msk [tilespmem:v7+s4+$0x0], $0xffff  }
0x260: {  	v13 =	vadd.f32 v20, v13;
	vm0 =	veq.s32 v16, v17;
	v0 =	vsub.f32 $1.000000000e+00, v0  }
0x261: {  	v1 =	vsub.f32 $1.000000000e+00, v1;
	v16 =	vsel vm0, $0x0, v18;
	v11 =	vmul.f32 v19, v11  }
0x262: {  	vm12 =	veq.s32 v14, v15;
	v2 =	vsub.f32 $1.000000000e+00, v2;
	v13 =	vadd.f32 v16, v13  }
0x263: {  	v0 =	vmul.f32 v1, v0;
	v60 =	vsub.f32 $1.000000000e+00, v3;
	v11 =	vsel vm12, $0x0, v11  }
0x264: {  	vm13 =	veq.s32 v9, v12;
	v4 =	vsub.f32 $1.000000000e+00, v4;
	v61 =	vadd.f32 v11, v13  }
0x265: {  	v0 =	vsel vm13, $0x0, v0;
	v1 =	vmul.f32 v60, v2;
	v62 =	vsub.f32 $1.000000000e+00, v5  }
0x266: {  	vm14 =	veq.s32 v8, v10;
	v0 =	vadd.f32 v0, v61  }
0x267: {  	v1 =	vsel vm14, $0x0, v1;
	v2 =	vmul.f32 v62, v4  }
0x268: {  	vm15 =	veq.s32 v6, v7;
	v0 =	vadd.f32 v1, v0  }
0x269: {  	v63 =	vsel vm15, $0x0, v2  }
0x26a: {  	v0 =	vadd.f32 v63, v0;
	_ =	sdelay $0x1  }
0x26b: {  	s1 =	simm.s32 $0x1EC80;
	[tilespmem:$0x1EC80] =	vst v0  }
0x26c: {  	[hbm4b:s14+s4] =	stream.linear.scatter [tilespmem:s1], [sflag:$0x8], $0x80, $0x38;
	[tilespmem:$0x1EE00] =	vst v63  }
0x26d: {  	_ =	swait.ge [sflag:s21], $0x80  }
0x26e: {  	[sflag:s21] =	ssyncset.done $0x0  }
0x26f: {  	s10 =	simm.s32 $0x1ED00;
	[sflag:s21] =	ssyncadd.s32 $0xFFFFFF80  }
0x270: {  	[hbm4b:s15+s4] =	stream.linear.scatter [tilespmem:s10], [sflag:$0x8], $0x80, $0x38;
	[tilespmem:$0x1EE00] =	vst v63  }
0x271: {  	s25 =	sadd.s32 $0x1, s25;
	_ =	swait.ge [sflag:s21], $0x80  }
0x272: {  	p1 =	sne.s32 s25, s18;
	[sflag:s21] =	ssyncset.done $0x0  }
.Ltmp12:
0x273: {  	s30 =	simm.s32 $0x1ED80;
	[sflag:s21] =	ssyncadd.s32 $0xFFFFFF80;
	(pc) =	sbr.rel @p1 .LBB2_1-.Ltmp12, $4  }
0x274: {  	[hbm4b:s16+s4] =	stream.linear.scatter [tilespmem:s30], [sflag:$0x8], $0x80, $0x38;
	[tilespmem:$0x1EE00] =	vst v63  }
0x275: {  	_ =	swait.ge [sflag:s21], $0x80  }
0x276: {  	[sflag:s21] =	ssyncset.done $0x0  }
0x277: {  	[sflag:s21] =	ssyncadd.s32 $0xFFFFFF80  }
0x278: {  	_ =	sfence.sel $0x180000  }
0x279: {  	[bflag:$0x0] =	sbarrier.arrive $0xFFFF  }
0x27a: {  	_ =	strace $0x90000047  }
0x27b: {  	s0 =	stileid.u32;
	[bflag:$0x2] =	sbarrier.arrive $0xFFFF  }
0x27c: {  	p0 =	sne.s32 s0, $0x0;
	s0 =	rddreg [dreg:$0x4]  }
0x27d: {  	s0 =	sadd.s32 @!p0 $0x100000, s0  }
0x27e: {  	[sflag:s0] =	ssyncadd.tile.s32 @!p0 $0x1;
	_ =	shalt  }
.Lfunc_end2:
_tile_overlayer_lowered:
.L_overlay_start_2:
0x27f: {  	(tag) =	ssettag $0x2  }
0x280: {  	s0 =	rddreg [dreg:$0x0];
	s2 =	stileid.u32  }
0x281: {  	s1 =	rddreg [dreg:$0x1];
	p0 =	sne.s32 s2, $0x0  }
0x282: {  	s3 =	rddreg [dreg:$0x2];
	[bflag:$0x3] =	sbarrier.arrive $0xFFFF;
	s2 =	simm.s32 @!p0 $0x1C08  }
0x283: {  	[timem:s3], [sflag:s2] =	dma.local @!p0 [hbm:s0], s1  }
0x284: {  	s0 =	simm.s32 @!p0 $0x8  }
0x285: {  	_ =	swait.ge @!p0 [sflag:s0], s1  }
0x286: {  	s1 =	ssub.s32 @!p0 $0x0, s1;
	[sflag:s0] =	ssyncset.done @!p0 $0x0  }
0x287: {  	[sflag:s0] =	ssyncadd.s32 @!p0 s1  }
0x288: {  	[bflag:$0x3] =	sbarrier.arrive $0xFFFF  }
0x289: {  	_ =	shalt  }

</sc_bundles>
